<compile_context>
chip_gen: v7x
topology: tpu7x:2x2x1
jax: 0.10.2.dev20260603
libtpu: 0.0.44.dev20260713+nightly
codegen_flags: <defaults>
</compile_context>

<pallas_src>
import jax
import jax.numpy as jnp
from jax import lax
from jax.experimental import pallas as pl
from jax.experimental.pallas import tpu as pltpu
from jax.experimental.pallas import tpu_sc as plsc

BATCH = 4
SEQ_LEN = 8192
EMBED = 1024

S_BLK = 1024


def _add_body(x_ref, pos_ref, sc_ref, out_ref):
    del sc_ref
    out_ref[...] = x_ref[...] + pos_ref[...]


def _tc_part(x, pos_table, sc_out, seq_start):
    blk0 = seq_start // S_BLK
    grid = ((SEQ_LEN - seq_start) // S_BLK, BATCH)
    return pl.pallas_call(
        _add_body,
        grid=grid,
        in_specs=[
            pl.BlockSpec((1, S_BLK, EMBED), lambda s, b: (b, s + blk0, 0)),
            pl.BlockSpec((S_BLK, EMBED), lambda s, b: (s + blk0, 0)),
            pl.BlockSpec(memory_space=pltpu.MemorySpace.HBM),
        ],
        out_specs=pl.BlockSpec((1, S_BLK, EMBED), lambda s, b: (b, s + blk0, 0)),
        out_shape=jax.ShapeDtypeStruct((BATCH, SEQ_LEN, EMBED), jnp.float32),
        input_output_aliases={2: 0},
        compiler_params=pltpu.CompilerParams(
            dimension_semantics=("parallel", "arbitrary"),
        ),
    )(x, pos_table, sc_out)



NC, NS, L = 2, 16, 16
NW = NC * NS
SEQ_SC = 1024
R = 16
NBUF = 3


def _sc_body(x_hbm, pos_hbm, out_hbm, xbufs, posbuf, gsems, ssems, psem):
    w = lax.axis_index("s") * NC + lax.axis_index("c")
    rows_per_w = SEQ_SC // NW
    chunks = rows_per_w // R
    seq0 = w * rows_per_w

    @pl.loop(0, chunks)
    def chunk_body(c):
        prow = seq0 + c * R
        pltpu.async_copy(pos_hbm.at[pl.ds(prow, R), :], posbuf, psem).wait()

        def x_rows(b):
            return (pl.ds(b * SEQ_LEN + prow, R), slice(None))

        h_g = {0: pltpu.async_copy(x_hbm.at[x_rows(0)], xbufs[0], gsems[0])}
        h_s = {}
        for b in range(BATCH):
            if b + 1 < BATCH:
                if b + 1 - NBUF >= 0:
                    h_s.pop(b + 1 - NBUF).wait()
                h_g[b + 1] = pltpu.async_copy(
                    x_hbm.at[x_rows(b + 1)], xbufs[(b + 1) % NBUF],
                    gsems[(b + 1) % NBUF])
            h_g.pop(b).wait()

            xbuf = xbufs[b % NBUF]

            def add_one(j, xbuf=xbuf):
                sl = pl.ds(j * L, L)
                for r in range(R):
                    plsc.addupdate(xbuf.at[r, sl], posbuf[r, sl])

            plsc.parallel_loop(0, EMBED // L, 1, unroll=2)(add_one)
            h_s[b] = pltpu.async_copy(xbuf, out_hbm.at[x_rows(b)],
                                      ssems[b % NBUF])
        for b in sorted(h_s):
            h_s[b].wait()


def _sc_part(x, pos_table):
    xf = x.reshape(BATCH * SEQ_LEN, EMBED)
    out = pl.kernel(
        _sc_body,
        out_type=jax.ShapeDtypeStruct((BATCH * SEQ_LEN, EMBED), jnp.float32),
        mesh=plsc.VectorSubcoreMesh(core_axis_name="c", subcore_axis_name="s"),
        scratch_types=[
            [pltpu.VMEM((R, EMBED), jnp.float32) for _ in range(NBUF)],
            pltpu.VMEM((R, EMBED), jnp.float32),
            [pltpu.SemaphoreType.DMA for _ in range(NBUF)],
            [pltpu.SemaphoreType.DMA for _ in range(NBUF)],
            pltpu.SemaphoreType.DMA,
        ],
        compiler_params=pltpu.CompilerParams(use_tc_tiling_on_sc=True),
    )(xf, pos_table)
    return out.reshape(BATCH, SEQ_LEN, EMBED)


def kernel(x, pos_table):
    sc_out = _sc_part(x, pos_table)
    return _tc_part(x, pos_table, sc_out, SEQ_SC)

# --- scband reference (transcript-rebuilt; emitter-appended) ---
"""Pipeline reference for scband-learnable-positional-encoding-6983616824143 (READ-ONLY COPY).

The authoritative reference and input builder live on the scoring server;
editing this copy changes nothing except your own understanding.
"""

import jax, jax.numpy as jnp
import numpy as np

EMBED_DIM = 1024
MAX_SEQ_LEN = 8192
BATCH = 4
SEQ_LEN = 8192


def setup_inputs(seed: int = 0) -> dict:
    key = jax.random.key(seed)
    k_x, k_tab = jax.random.split(key)
    x = jax.random.normal(k_x, (BATCH, SEQ_LEN, EMBED_DIM), dtype=jnp.float32)
    # nn.Embedding default init: N(0, 1)
    pos_table = jax.random.normal(k_tab, (MAX_SEQ_LEN, EMBED_DIM), dtype=jnp.float32)
    return {"x": x, "pos_table": pos_table}


def reference(x, pos_table):
    seq_len = x.shape[1]
    positions = jnp.arange(seq_len)  # (seq_len,)
    pos_emb = jnp.take(pos_table, positions, axis=0)  # (seq_len, embed_dim) gather
    out = x + pos_emb[None, :, :]  # broadcast over batch
    # dropout p=0.0 (eval / disabled) -> identity
    return out

if __name__ == "__main__":
    import jax
    _d = setup_inputs()
    print(jax.jit(kernel)(*tuple(_d.values())))

</pallas_src>

<mosaic_0001>
#map = affine_map<(d0, d1) -> (0, 0)>
module attributes {stable_mosaic.version = 14 : i64} {
  func.func @_sc_body(%arg0: i32, %arg1: i32, %arg2: memref<32768x1024xf32, #tpu.memory_space<hbm>>, %arg3: memref<8192x1024xf32, #tpu.memory_space<hbm>>, %arg4: memref<32768x1024xf32, #tpu.memory_space<hbm>>, %arg5: memref<16x1024xf32, #tpu.memory_space<vmem>>, %arg6: memref<16x1024xf32, #tpu.memory_space<vmem>>, %arg7: memref<16x1024xf32, #tpu.memory_space<vmem>>, %arg8: memref<16x1024xf32, #tpu.memory_space<vmem>>, %arg9: memref<!tpu.dma_semaphore, #tpu.memory_space<semaphore_mem>>, %arg10: memref<!tpu.dma_semaphore, #tpu.memory_space<semaphore_mem>>, %arg11: memref<!tpu.dma_semaphore, #tpu.memory_space<semaphore_mem>>, %arg12: memref<!tpu.dma_semaphore, #tpu.memory_space<semaphore_mem>>, %arg13: memref<!tpu.dma_semaphore, #tpu.memory_space<semaphore_mem>>, %arg14: memref<!tpu.dma_semaphore, #tpu.memory_space<semaphore_mem>>, %arg15: memref<!tpu.dma_semaphore, #tpu.memory_space<semaphore_mem>>) attributes {dimension_semantics = [#tpu.dimension_semantics<core_parallel>, #tpu.dimension_semantics<subcore_parallel>], iteration_bounds = array<i64: 2, 16>, scalar_prefetch = 0 : i64, scratch_operands = 11 : i64, tpu.core_type = #tpu.core_type<sc_vector_subcore>, window_params = [{transform_indices = #map}, {transform_indices = #map}, {transform_indices = #map}]} {
    %mul3A = arith.constant 2 : i32
    %mul3A_0 = arith.muli %arg1, %mul3A : i32
    %add3A = arith.addi %mul3A_0, %arg0 : i32
    %mul3A_1 = arith.constant 32 : i32
    %mul3A_2 = arith.muli %add3A, %mul3A_1 : i32
    %scan3A = arith.constant 0 : i32
    %scan3A_3 = arith.constant 2 : i32
    %scan3A_4 = arith.addi %scan3A, %scan3A_3 : i32
    %scan3A_5 = arith.constant 1 : i32
    scf.for %scan3A_7 = %scan3A to %scan3A_4 step %scan3A_5  : i32 {
      %mul3A_8 = arith.constant 1 : i32
      %mul3A_9 = arith.muli %scan3A_7, %mul3A_8 : i32
      %add3A_10 = arith.constant 0 : i32
      %add3A_11 = arith.addi %add3A_10, %mul3A_9 : i32
      %mul3A_12 = arith.constant 16 : i32
      %mul3A_13 = arith.muli %add3A_11, %mul3A_12 : i32
      %add3A_14 = arith.addi %mul3A_2, %mul3A_13 : i32
      %dma_start3A = arith.constant 0 : i32
      %dma_start3A_15 = tpu.memref_slice %arg3[%add3A_14, %dma_start3A] : memref<8192x1024xf32, #tpu.memory_space<hbm>> -> memref<16x1024xf32, #tpu.memory_space<hbm>>
      %dma_start3A_16 = arith.constant 0 : i32
      %dma_start3A_17 = tpu.memref_slice %arg3[%add3A_14, %dma_start3A_16] : memref<8192x1024xf32, #tpu.memory_space<hbm>> -> memref<16x1024xf32, #tpu.memory_space<hbm>>
      tpu.enqueue_dma source(%dma_start3A_17 : memref<16x1024xf32, #tpu.memory_space<hbm>>) target(%arg8 : memref<16x1024xf32, #tpu.memory_space<vmem>>) target_semaphore(%arg15 : memref<!tpu.dma_semaphore, #tpu.memory_space<semaphore_mem>>)
      %dma_wait3A = arith.constant 0 : i32
      %dma_wait3A_18 = tpu.memref_slice %arg3[%add3A_14, %dma_wait3A] : memref<8192x1024xf32, #tpu.memory_space<hbm>> -> memref<16x1024xf32, #tpu.memory_space<hbm>>
      %dma_wait3A_19 = arith.constant 0 : i32
      %dma_wait3A_20 = tpu.memref_slice %arg3[%add3A_14, %dma_wait3A_19] : memref<8192x1024xf32, #tpu.memory_space<hbm>> -> memref<16x1024xf32, #tpu.memory_space<hbm>>
      tpu.wait_dma2 semaphore(%arg15 : memref<!tpu.dma_semaphore, #tpu.memory_space<semaphore_mem>>) src(%dma_wait3A_20 : memref<16x1024xf32, #tpu.memory_space<hbm>>) dst(%arg8 : memref<16x1024xf32, #tpu.memory_space<vmem>>)
      %add3A_21 = arith.constant 0 : i32
      %add3A_22 = arith.addi %add3A_21, %add3A_14 : i32
      %dma_start3A_23 = arith.constant 0 : i32
      %dma_start3A_24 = tpu.memref_slice %arg2[%add3A_22, %dma_start3A_23] : memref<32768x1024xf32, #tpu.memory_space<hbm>> -> memref<16x1024xf32, #tpu.memory_space<hbm>>
      %dma_start3A_25 = arith.constant 0 : i32
      %dma_start3A_26 = tpu.memref_slice %arg2[%add3A_22, %dma_start3A_25] : memref<32768x1024xf32, #tpu.memory_space<hbm>> -> memref<16x1024xf32, #tpu.memory_space<hbm>>
      tpu.enqueue_dma source(%dma_start3A_26 : memref<16x1024xf32, #tpu.memory_space<hbm>>) target(%arg5 : memref<16x1024xf32, #tpu.memory_space<vmem>>) target_semaphore(%arg9 : memref<!tpu.dma_semaphore, #tpu.memory_space<semaphore_mem>>)
      %add3A_27 = arith.constant 8192 : i32
      %add3A_28 = arith.addi %add3A_27, %add3A_14 : i32
      %dma_start3A_29 = arith.constant 0 : i32
      %dma_start3A_30 = tpu.memref_slice %arg2[%add3A_28, %dma_start3A_29] : memref<32768x1024xf32, #tpu.memory_space<hbm>> -> memref<16x1024xf32, #tpu.memory_space<hbm>>
      %dma_start3A_31 = arith.constant 0 : i32
      %dma_start3A_32 = tpu.memref_slice %arg2[%add3A_28, %dma_start3A_31] : memref<32768x1024xf32, #tpu.memory_space<hbm>> -> memref<16x1024xf32, #tpu.memory_space<hbm>>
      tpu.enqueue_dma source(%dma_start3A_32 : memref<16x1024xf32, #tpu.memory_space<hbm>>) target(%arg6 : memref<16x1024xf32, #tpu.memory_space<vmem>>) target_semaphore(%arg10 : memref<!tpu.dma_semaphore, #tpu.memory_space<semaphore_mem>>)
      %dma_wait3A_33 = arith.constant 0 : i32
      %dma_wait3A_34 = tpu.memref_slice %arg2[%add3A_22, %dma_wait3A_33] : memref<32768x1024xf32, #tpu.memory_space<hbm>> -> memref<16x1024xf32, #tpu.memory_space<hbm>>
      %dma_wait3A_35 = arith.constant 0 : i32
      %dma_wait3A_36 = tpu.memref_slice %arg2[%add3A_22, %dma_wait3A_35] : memref<32768x1024xf32, #tpu.memory_space<hbm>> -> memref<16x1024xf32, #tpu.memory_space<hbm>>
      tpu.wait_dma2 semaphore(%arg9 : memref<!tpu.dma_semaphore, #tpu.memory_space<semaphore_mem>>) src(%dma_wait3A_36 : memref<16x1024xf32, #tpu.memory_space<hbm>>) dst(%arg5 : memref<16x1024xf32, #tpu.memory_space<vmem>>)
      %parallel_loop3A = arith.constant 0 : i32
      %parallel_loop3A_37 = arith.constant 64 : i32
      %parallel_loop3A_38 = arith.constant 1 : i32
      scf.for %parallel_loop3A_112 = %parallel_loop3A to %parallel_loop3A_37 step %parallel_loop3A_38  : i32 {
        %parallel_loop3A_113 = arith.constant 16 : i32
        %parallel_loop3A_114 = arith.muli %parallel_loop3A_112, %parallel_loop3A_113 : i32
        %parallel_loop3A_115 = arith.constant 0 : i32
        %parallel_loop3A_116 = arith.index_cast %parallel_loop3A_115 : i32 to index
        %parallel_loop3A_117 = arith.index_cast %parallel_loop3A_114 : i32 to index
        %parallel_loop3A_118 = tpu.vector_load %arg8[%parallel_loop3A_116, %parallel_loop3A_117] {strides = array<i32>} : memref<16x1024xf32, #tpu.memory_space<vmem>>, vector<1x16xf32>,
        %parallel_loop3A_119 = vector.shape_cast %parallel_loop3A_118 : vector<1x16xf32> to vector<16xf32>
        %parallel_loop3A_120 = arith.constant 0 : i32
        %parallel_loop3A_121 = arith.index_cast %parallel_loop3A_120 : i32 to index
        %parallel_loop3A_122 = arith.index_cast %parallel_loop3A_114 : i32 to index
        %parallel_loop3A_123 = tpu.vector_load %arg5[%parallel_loop3A_121, %parallel_loop3A_122] {strides = array<i32>} : memref<16x1024xf32, #tpu.memory_space<vmem>>, vector<1x16xf32>,
        %parallel_loop3A_124 = vector.shape_cast %parallel_loop3A_123 : vector<1x16xf32> to vector<16xf32>
        %parallel_loop3A_125 = vector.shape_cast %parallel_loop3A_119 : vector<16xf32> to vector<1x16xf32>
        tpu.vector_store %arg5[%parallel_loop3A_121, %parallel_loop3A_122], %parallel_loop3A_125 {add = true, strides = array<i32>} : memref<16x1024xf32, #tpu.memory_space<vmem>>, vector<1x16xf32>,
        %parallel_loop3A_126 = arith.constant 1 : i32
        %parallel_loop3A_127 = arith.index_cast %parallel_loop3A_126 : i32 to index
        %parallel_loop3A_128 = arith.index_cast %parallel_loop3A_114 : i32 to index
        %parallel_loop3A_129 = tpu.vector_load %arg8[%parallel_loop3A_127, %parallel_loop3A_128] {strides = array<i32>} : memref<16x1024xf32, #tpu.memory_space<vmem>>, vector<1x16xf32>,
        %parallel_loop3A_130 = vector.shape_cast %parallel_loop3A_129 : vector<1x16xf32> to vector<16xf32>
        %parallel_loop3A_131 = arith.constant 1 : i32
        %parallel_loop3A_132 = arith.index_cast %parallel_loop3A_131 : i32 to index
        %parallel_loop3A_133 = arith.index_cast %parallel_loop3A_114 : i32 to index
        %parallel_loop3A_134 = tpu.vector_load %arg5[%parallel_loop3A_132, %parallel_loop3A_133] {strides = array<i32>} : memref<16x1024xf32, #tpu.memory_space<vmem>>, vector<1x16xf32>,
        %parallel_loop3A_135 = vector.shape_cast %parallel_loop3A_134 : vector<1x16xf32> to vector<16xf32>
        %parallel_loop3A_136 = vector.shape_cast %parallel_loop3A_130 : vector<16xf32> to vector<1x16xf32>
        tpu.vector_store %arg5[%parallel_loop3A_132, %parallel_loop3A_133], %parallel_loop3A_136 {add = true, strides = array<i32>} : memref<16x1024xf32, #tpu.memory_space<vmem>>, vector<1x16xf32>,
        %parallel_loop3A_137 = arith.constant 2 : i32
        %parallel_loop3A_138 = arith.index_cast %parallel_loop3A_137 : i32 to index
        %parallel_loop3A_139 = arith.index_cast %parallel_loop3A_114 : i32 to index
        %parallel_loop3A_140 = tpu.vector_load %arg8[%parallel_loop3A_138, %parallel_loop3A_139] {strides = array<i32>} : memref<16x1024xf32, #tpu.memory_space<vmem>>, vector<1x16xf32>,
        %parallel_loop3A_141 = vector.shape_cast %parallel_loop3A_140 : vector<1x16xf32> to vector<16xf32>
        %parallel_loop3A_142 = arith.constant 2 : i32
        %parallel_loop3A_143 = arith.index_cast %parallel_loop3A_142 : i32 to index
        %parallel_loop3A_144 = arith.index_cast %parallel_loop3A_114 : i32 to index
        %parallel_loop3A_145 = tpu.vector_load %arg5[%parallel_loop3A_143, %parallel_loop3A_144] {strides = array<i32>} : memref<16x1024xf32, #tpu.memory_space<vmem>>, vector<1x16xf32>,
        %parallel_loop3A_146 = vector.shape_cast %parallel_loop3A_145 : vector<1x16xf32> to vector<16xf32>
        %parallel_loop3A_147 = vector.shape_cast %parallel_loop3A_141 : vector<16xf32> to vector<1x16xf32>
        tpu.vector_store %arg5[%parallel_loop3A_143, %parallel_loop3A_144], %parallel_loop3A_147 {add = true, strides = array<i32>} : memref<16x1024xf32, #tpu.memory_space<vmem>>, vector<1x16xf32>,
        %parallel_loop3A_148 = arith.constant 3 : i32
        %parallel_loop3A_149 = arith.index_cast %parallel_loop3A_148 : i32 to index
        %parallel_loop3A_150 = arith.index_cast %parallel_loop3A_114 : i32 to index
        %parallel_loop3A_151 = tpu.vector_load %arg8[%parallel_loop3A_149, %parallel_loop3A_150] {strides = array<i32>} : memref<16x1024xf32, #tpu.memory_space<vmem>>, vector<1x16xf32>,
        %parallel_loop3A_152 = vector.shape_cast %parallel_loop3A_151 : vector<1x16xf32> to vector<16xf32>
        %parallel_loop3A_153 = arith.constant 3 : i32
        %parallel_loop3A_154 = arith.index_cast %parallel_loop3A_153 : i32 to index
        %parallel_loop3A_155 = arith.index_cast %parallel_loop3A_114 : i32 to index
        %parallel_loop3A_156 = tpu.vector_load %arg5[%parallel_loop3A_154, %parallel_loop3A_155] {strides = array<i32>} : memref<16x1024xf32, #tpu.memory_space<vmem>>, vector<1x16xf32>,
        %parallel_loop3A_157 = vector.shape_cast %parallel_loop3A_156 : vector<1x16xf32> to vector<16xf32>
        %parallel_loop3A_158 = vector.shape_cast %parallel_loop3A_152 : vector<16xf32> to vector<1x16xf32>
        tpu.vector_store %arg5[%parallel_loop3A_154, %parallel_loop3A_155], %parallel_loop3A_158 {add = true, strides = array<i32>} : memref<16x1024xf32, #tpu.memory_space<vmem>>, vector<1x16xf32>,
        %parallel_loop3A_159 = arith.constant 4 : i32
        %parallel_loop3A_160 = arith.index_cast %parallel_loop3A_159 : i32 to index
        %parallel_loop3A_161 = arith.index_cast %parallel_loop3A_114 : i32 to index
        %parallel_loop3A_162 = tpu.vector_load %arg8[%parallel_loop3A_160, %parallel_loop3A_161] {strides = array<i32>} : memref<16x1024xf32, #tpu.memory_space<vmem>>, vector<1x16xf32>,
        %parallel_loop3A_163 = vector.shape_cast %parallel_loop3A_162 : vector<1x16xf32> to vector<16xf32>
        %parallel_loop3A_164 = arith.constant 4 : i32
        %parallel_loop3A_165 = arith.index_cast %parallel_loop3A_164 : i32 to index
        %parallel_loop3A_166 = arith.index_cast %parallel_loop3A_114 : i32 to index
        %parallel_loop3A_167 = tpu.vector_load %arg5[%parallel_loop3A_165, %parallel_loop3A_166] {strides = array<i32>} : memref<16x1024xf32, #tpu.memory_space<vmem>>, vector<1x16xf32>,
        %parallel_loop3A_168 = vector.shape_cast %parallel_loop3A_167 : vector<1x16xf32> to vector<16xf32>
        %parallel_loop3A_169 = vector.shape_cast %parallel_loop3A_163 : vector<16xf32> to vector<1x16xf32>
        tpu.vector_store %arg5[%parallel_loop3A_165, %parallel_loop3A_166], %parallel_loop3A_169 {add = true, strides = array<i32>} : memref<16x1024xf32, #tpu.memory_space<vmem>>, vector<1x16xf32>,
        %parallel_loop3A_170 = arith.constant 5 : i32
        %parallel_loop3A_171 = arith.index_cast %parallel_loop3A_170 : i32 to index
        %parallel_loop3A_172 = arith.index_cast %parallel_loop3A_114 : i32 to index
        %parallel_loop3A_173 = tpu.vector_load %arg8[%parallel_loop3A_171, %parallel_loop3A_172] {strides = array<i32>} : memref<16x1024xf32, #tpu.memory_space<vmem>>, vector<1x16xf32>,
        %parallel_loop3A_174 = vector.shape_cast %parallel_loop3A_173 : vector<1x16xf32> to vector<16xf32>
        %parallel_loop3A_175 = arith.constant 5 : i32
        %parallel_loop3A_176 = arith.index_cast %parallel_loop3A_175 : i32 to index
        %parallel_loop3A_177 = arith.index_cast %parallel_loop3A_114 : i32 to index
        %parallel_loop3A_178 = tpu.vector_load %arg5[%parallel_loop3A_176, %parallel_loop3A_177] {strides = array<i32>} : memref<16x1024xf32, #tpu.memory_space<vmem>>, vector<1x16xf32>,
        %parallel_loop3A_179 = vector.shape_cast %parallel_loop3A_178 : vector<1x16xf32> to vector<16xf32>
        %parallel_loop3A_180 = vector.shape_cast %parallel_loop3A_174 : vector<16xf32> to vector<1x16xf32>
        tpu.vector_store %arg5[%parallel_loop3A_176, %parallel_loop3A_177], %parallel_loop3A_180 {add = true, strides = array<i32>} : memref<16x1024xf32, #tpu.memory_space<vmem>>, vector<1x16xf32>,
        %parallel_loop3A_181 = arith.constant 6 : i32
        %parallel_loop3A_182 = arith.index_cast %parallel_loop3A_181 : i32 to index
        %parallel_loop3A_183 = arith.index_cast %parallel_loop3A_114 : i32 to index
        %parallel_loop3A_184 = tpu.vector_load %arg8[%parallel_loop3A_182, %parallel_loop3A_183] {strides = array<i32>} : memref<16x1024xf32, #tpu.memory_space<vmem>>, vector<1x16xf32>,
        %parallel_loop3A_185 = vector.shape_cast %parallel_loop3A_184 : vector<1x16xf32> to vector<16xf32>
        %parallel_loop3A_186 = arith.constant 6 : i32
        %parallel_loop3A_187 = arith.index_cast %parallel_loop3A_186 : i32 to index
        %parallel_loop3A_188 = arith.index_cast %parallel_loop3A_114 : i32 to index
        %parallel_loop3A_189 = tpu.vector_load %arg5[%parallel_loop3A_187, %parallel_loop3A_188] {strides = array<i32>} : memref<16x1024xf32, #tpu.memory_space<vmem>>, vector<1x16xf32>,
        %parallel_loop3A_190 = vector.shape_cast %parallel_loop3A_189 : vector<1x16xf32> to vector<16xf32>
        %parallel_loop3A_191 = vector.shape_cast %parallel_loop3A_185 : vector<16xf32> to vector<1x16xf32>
        tpu.vector_store %arg5[%parallel_loop3A_187, %parallel_loop3A_188], %parallel_loop3A_191 {add = true, strides = array<i32>} : memref<16x1024xf32, #tpu.memory_space<vmem>>, vector<1x16xf32>,
        %parallel_loop3A_192 = arith.constant 7 : i32
        %parallel_loop3A_193 = arith.index_cast %parallel_loop3A_192 : i32 to index
        %parallel_loop3A_194 = arith.index_cast %parallel_loop3A_114 : i32 to index
        %parallel_loop3A_195 = tpu.vector_load %arg8[%parallel_loop3A_193, %parallel_loop3A_194] {strides = array<i32>} : memref<16x1024xf32, #tpu.memory_space<vmem>>, vector<1x16xf32>,
        %parallel_loop3A_196 = vector.shape_cast %parallel_loop3A_195 : vector<1x16xf32> to vector<16xf32>
        %parallel_loop3A_197 = arith.constant 7 : i32
        %parallel_loop3A_198 = arith.index_cast %parallel_loop3A_197 : i32 to index
        %parallel_loop3A_199 = arith.index_cast %parallel_loop3A_114 : i32 to index
        %parallel_loop3A_200 = tpu.vector_load %arg5[%parallel_loop3A_198, %parallel_loop3A_199] {strides = array<i32>} : memref<16x1024xf32, #tpu.memory_space<vmem>>, vector<1x16xf32>,
        %parallel_loop3A_201 = vector.shape_cast %parallel_loop3A_200 : vector<1x16xf32> to vector<16xf32>
        %parallel_loop3A_202 = vector.shape_cast %parallel_loop3A_196 : vector<16xf32> to vector<1x16xf32>
        tpu.vector_store %arg5[%parallel_loop3A_198, %parallel_loop3A_199], %parallel_loop3A_202 {add = true, strides = array<i32>} : memref<16x1024xf32, #tpu.memory_space<vmem>>, vector<1x16xf32>,
        %parallel_loop3A_203 = arith.constant 8 : i32
        %parallel_loop3A_204 = arith.index_cast %parallel_loop3A_203 : i32 to index
        %parallel_loop3A_205 = arith.index_cast %parallel_loop3A_114 : i32 to index
        %parallel_loop3A_206 = tpu.vector_load %arg8[%parallel_loop3A_204, %parallel_loop3A_205] {strides = array<i32>} : memref<16x1024xf32, #tpu.memory_space<vmem>>, vector<1x16xf32>,
        %parallel_loop3A_207 = vector.shape_cast %parallel_loop3A_206 : vector<1x16xf32> to vector<16xf32>
        %parallel_loop3A_208 = arith.constant 8 : i32
        %parallel_loop3A_209 = arith.index_cast %parallel_loop3A_208 : i32 to index
        %parallel_loop3A_210 = arith.index_cast %parallel_loop3A_114 : i32 to index
        %parallel_loop3A_211 = tpu.vector_load %arg5[%parallel_loop3A_209, %parallel_loop3A_210] {strides = array<i32>} : memref<16x1024xf32, #tpu.memory_space<vmem>>, vector<1x16xf32>,
        %parallel_loop3A_212 = vector.shape_cast %parallel_loop3A_211 : vector<1x16xf32> to vector<16xf32>
        %parallel_loop3A_213 = vector.shape_cast %parallel_loop3A_207 : vector<16xf32> to vector<1x16xf32>
        tpu.vector_store %arg5[%parallel_loop3A_209, %parallel_loop3A_210], %parallel_loop3A_213 {add = true, strides = array<i32>} : memref<16x1024xf32, #tpu.memory_space<vmem>>, vector<1x16xf32>,
        %parallel_loop3A_214 = arith.constant 9 : i32
        %parallel_loop3A_215 = arith.index_cast %parallel_loop3A_214 : i32 to index
        %parallel_loop3A_216 = arith.index_cast %parallel_loop3A_114 : i32 to index
        %parallel_loop3A_217 = tpu.vector_load %arg8[%parallel_loop3A_215, %parallel_loop3A_216] {strides = array<i32>} : memref<16x1024xf32, #tpu.memory_space<vmem>>, vector<1x16xf32>,
        %parallel_loop3A_218 = vector.shape_cast %parallel_loop3A_217 : vector<1x16xf32> to vector<16xf32>
        %parallel_loop3A_219 = arith.constant 9 : i32
        %parallel_loop3A_220 = arith.index_cast %parallel_loop3A_219 : i32 to index
        %parallel_loop3A_221 = arith.index_cast %parallel_loop3A_114 : i32 to index
        %parallel_loop3A_222 = tpu.vector_load %arg5[%parallel_loop3A_220, %parallel_loop3A_221] {strides = array<i32>} : memref<16x1024xf32, #tpu.memory_space<vmem>>, vector<1x16xf32>,
        %parallel_loop3A_223 = vector.shape_cast %parallel_loop3A_222 : vector<1x16xf32> to vector<16xf32>
        %parallel_loop3A_224 = vector.shape_cast %parallel_loop3A_218 : vector<16xf32> to vector<1x16xf32>
        tpu.vector_store %arg5[%parallel_loop3A_220, %parallel_loop3A_221], %parallel_loop3A_224 {add = true, strides = array<i32>} : memref<16x1024xf32, #tpu.memory_space<vmem>>, vector<1x16xf32>,
        %parallel_loop3A_225 = arith.constant 10 : i32
        %parallel_loop3A_226 = arith.index_cast %parallel_loop3A_225 : i32 to index
        %parallel_loop3A_227 = arith.index_cast %parallel_loop3A_114 : i32 to index
        %parallel_loop3A_228 = tpu.vector_load %arg8[%parallel_loop3A_226, %parallel_loop3A_227] {strides = array<i32>} : memref<16x1024xf32, #tpu.memory_space<vmem>>, vector<1x16xf32>,
        %parallel_loop3A_229 = vector.shape_cast %parallel_loop3A_228 : vector<1x16xf32> to vector<16xf32>
        %parallel_loop3A_230 = arith.constant 10 : i32
        %parallel_loop3A_231 = arith.index_cast %parallel_loop3A_230 : i32 to index
        %parallel_loop3A_232 = arith.index_cast %parallel_loop3A_114 : i32 to index
        %parallel_loop3A_233 = tpu.vector_load %arg5[%parallel_loop3A_231, %parallel_loop3A_232] {strides = array<i32>} : memref<16x1024xf32, #tpu.memory_space<vmem>>, vector<1x16xf32>,
        %parallel_loop3A_234 = vector.shape_cast %parallel_loop3A_233 : vector<1x16xf32> to vector<16xf32>
        %parallel_loop3A_235 = vector.shape_cast %parallel_loop3A_229 : vector<16xf32> to vector<1x16xf32>
        tpu.vector_store %arg5[%parallel_loop3A_231, %parallel_loop3A_232], %parallel_loop3A_235 {add = true, strides = array<i32>} : memref<16x1024xf32, #tpu.memory_space<vmem>>, vector<1x16xf32>,
        %parallel_loop3A_236 = arith.constant 11 : i32
        %parallel_loop3A_237 = arith.index_cast %parallel_loop3A_236 : i32 to index
        %parallel_loop3A_238 = arith.index_cast %parallel_loop3A_114 : i32 to index
        %parallel_loop3A_239 = tpu.vector_load %arg8[%parallel_loop3A_237, %parallel_loop3A_238] {strides = array<i32>} : memref<16x1024xf32, #tpu.memory_space<vmem>>, vector<1x16xf32>,
        %parallel_loop3A_240 = vector.shape_cast %parallel_loop3A_239 : vector<1x16xf32> to vector<16xf32>
        %parallel_loop3A_241 = arith.constant 11 : i32
        %parallel_loop3A_242 = arith.index_cast %parallel_loop3A_241 : i32 to index
        %parallel_loop3A_243 = arith.index_cast %parallel_loop3A_114 : i32 to index
        %parallel_loop3A_244 = tpu.vector_load %arg5[%parallel_loop3A_242, %parallel_loop3A_243] {strides = array<i32>} : memref<16x1024xf32, #tpu.memory_space<vmem>>, vector<1x16xf32>,
        %parallel_loop3A_245 = vector.shape_cast %parallel_loop3A_244 : vector<1x16xf32> to vector<16xf32>
        %parallel_loop3A_246 = vector.shape_cast %parallel_loop3A_240 : vector<16xf32> to vector<1x16xf32>
        tpu.vector_store %arg5[%parallel_loop3A_242, %parallel_loop3A_243], %parallel_loop3A_246 {add = true, strides = array<i32>} : memref<16x1024xf32, #tpu.memory_space<vmem>>, vector<1x16xf32>,
        %parallel_loop3A_247 = arith.constant 12 : i32
        %parallel_loop3A_248 = arith.index_cast %parallel_loop3A_247 : i32 to index
        %parallel_loop3A_249 = arith.index_cast %parallel_loop3A_114 : i32 to index
        %parallel_loop3A_250 = tpu.vector_load %arg8[%parallel_loop3A_248, %parallel_loop3A_249] {strides = array<i32>} : memref<16x1024xf32, #tpu.memory_space<vmem>>, vector<1x16xf32>,
        %parallel_loop3A_251 = vector.shape_cast %parallel_loop3A_250 : vector<1x16xf32> to vector<16xf32>
        %parallel_loop3A_252 = arith.constant 12 : i32
        %parallel_loop3A_253 = arith.index_cast %parallel_loop3A_252 : i32 to index
        %parallel_loop3A_254 = arith.index_cast %parallel_loop3A_114 : i32 to index
        %parallel_loop3A_255 = tpu.vector_load %arg5[%parallel_loop3A_253, %parallel_loop3A_254] {strides = array<i32>} : memref<16x1024xf32, #tpu.memory_space<vmem>>, vector<1x16xf32>,
        %parallel_loop3A_256 = vector.shape_cast %parallel_loop3A_255 : vector<1x16xf32> to vector<16xf32>
        %parallel_loop3A_257 = vector.shape_cast %parallel_loop3A_251 : vector<16xf32> to vector<1x16xf32>
        tpu.vector_store %arg5[%parallel_loop3A_253, %parallel_loop3A_254], %parallel_loop3A_257 {add = true, strides = array<i32>} : memref<16x1024xf32, #tpu.memory_space<vmem>>, vector<1x16xf32>,
        %parallel_loop3A_258 = arith.constant 13 : i32
        %parallel_loop3A_259 = arith.index_cast %parallel_loop3A_258 : i32 to index
        %parallel_loop3A_260 = arith.index_cast %parallel_loop3A_114 : i32 to index
        %parallel_loop3A_261 = tpu.vector_load %arg8[%parallel_loop3A_259, %parallel_loop3A_260] {strides = array<i32>} : memref<16x1024xf32, #tpu.memory_space<vmem>>, vector<1x16xf32>,
        %parallel_loop3A_262 = vector.shape_cast %parallel_loop3A_261 : vector<1x16xf32> to vector<16xf32>
        %parallel_loop3A_263 = arith.constant 13 : i32
        %parallel_loop3A_264 = arith.index_cast %parallel_loop3A_263 : i32 to index
        %parallel_loop3A_265 = arith.index_cast %parallel_loop3A_114 : i32 to index
        %parallel_loop3A_266 = tpu.vector_load %arg5[%parallel_loop3A_264, %parallel_loop3A_265] {strides = array<i32>} : memref<16x1024xf32, #tpu.memory_space<vmem>>, vector<1x16xf32>,
        %parallel_loop3A_267 = vector.shape_cast %parallel_loop3A_266 : vector<1x16xf32> to vector<16xf32>
        %parallel_loop3A_268 = vector.shape_cast %parallel_loop3A_262 : vector<16xf32> to vector<1x16xf32>
        tpu.vector_store %arg5[%parallel_loop3A_264, %parallel_loop3A_265], %parallel_loop3A_268 {add = true, strides = array<i32>} : memref<16x1024xf32, #tpu.memory_space<vmem>>, vector<1x16xf32>,
        %parallel_loop3A_269 = arith.constant 14 : i32
        %parallel_loop3A_270 = arith.index_cast %parallel_loop3A_269 : i32 to index
        %parallel_loop3A_271 = arith.index_cast %parallel_loop3A_114 : i32 to index
        %parallel_loop3A_272 = tpu.vector_load %arg8[%parallel_loop3A_270, %parallel_loop3A_271] {strides = array<i32>} : memref<16x1024xf32, #tpu.memory_space<vmem>>, vector<1x16xf32>,
        %parallel_loop3A_273 = vector.shape_cast %parallel_loop3A_272 : vector<1x16xf32> to vector<16xf32>
        %parallel_loop3A_274 = arith.constant 14 : i32
        %parallel_loop3A_275 = arith.index_cast %parallel_loop3A_274 : i32 to index
        %parallel_loop3A_276 = arith.index_cast %parallel_loop3A_114 : i32 to index
        %parallel_loop3A_277 = tpu.vector_load %arg5[%parallel_loop3A_275, %parallel_loop3A_276] {strides = array<i32>} : memref<16x1024xf32, #tpu.memory_space<vmem>>, vector<1x16xf32>,
        %parallel_loop3A_278 = vector.shape_cast %parallel_loop3A_277 : vector<1x16xf32> to vector<16xf32>
        %parallel_loop3A_279 = vector.shape_cast %parallel_loop3A_273 : vector<16xf32> to vector<1x16xf32>
        tpu.vector_store %arg5[%parallel_loop3A_275, %parallel_loop3A_276], %parallel_loop3A_279 {add = true, strides = array<i32>} : memref<16x1024xf32, #tpu.memory_space<vmem>>, vector<1x16xf32>,
        %parallel_loop3A_280 = arith.constant 15 : i32
        %parallel_loop3A_281 = arith.index_cast %parallel_loop3A_280 : i32 to index
        %parallel_loop3A_282 = arith.index_cast %parallel_loop3A_114 : i32 to index
        %parallel_loop3A_283 = tpu.vector_load %arg8[%parallel_loop3A_281, %parallel_loop3A_282] {strides = array<i32>} : memref<16x1024xf32, #tpu.memory_space<vmem>>, vector<1x16xf32>,
        %parallel_loop3A_284 = vector.shape_cast %parallel_loop3A_283 : vector<1x16xf32> to vector<16xf32>
        %parallel_loop3A_285 = arith.constant 15 : i32
        %parallel_loop3A_286 = arith.index_cast %parallel_loop3A_285 : i32 to index
        %parallel_loop3A_287 = arith.index_cast %parallel_loop3A_114 : i32 to index
        %parallel_loop3A_288 = tpu.vector_load %arg5[%parallel_loop3A_286, %parallel_loop3A_287] {strides = array<i32>} : memref<16x1024xf32, #tpu.memory_space<vmem>>, vector<1x16xf32>,
        %parallel_loop3A_289 = vector.shape_cast %parallel_loop3A_288 : vector<1x16xf32> to vector<16xf32>
        %parallel_loop3A_290 = vector.shape_cast %parallel_loop3A_284 : vector<16xf32> to vector<1x16xf32>
        tpu.vector_store %arg5[%parallel_loop3A_286, %parallel_loop3A_287], %parallel_loop3A_290 {add = true, strides = array<i32>} : memref<16x1024xf32, #tpu.memory_space<vmem>>, vector<1x16xf32>,
      } {sc.loop_unroll_factor = 2 : i64, sc.parallel_access}
      %add3A_39 = arith.constant 0 : i32
      %add3A_40 = arith.addi %add3A_39, %add3A_14 : i32
      %dma_start3A_41 = arith.constant 0 : i32
      %dma_start3A_42 = tpu.memref_slice %arg4[%add3A_40, %dma_start3A_41] : memref<32768x1024xf32, #tpu.memory_space<hbm>> -> memref<16x1024xf32, #tpu.memory_space<hbm>>
      %dma_start3A_43 = arith.constant 0 : i32
      %dma_start3A_44 = tpu.memref_slice %arg4[%add3A_40, %dma_start3A_43] : memref<32768x1024xf32, #tpu.memory_space<hbm>> -> memref<16x1024xf32, #tpu.memory_space<hbm>>
      tpu.enqueue_dma source(%arg5 : memref<16x1024xf32, #tpu.memory_space<vmem>>) target(%dma_start3A_44 : memref<16x1024xf32, #tpu.memory_space<hbm>>) target_semaphore(%arg12 : memref<!tpu.dma_semaphore, #tpu.memory_space<semaphore_mem>>)
      %add3A_45 = arith.constant 16384 : i32
      %add3A_46 = arith.addi %add3A_45, %add3A_14 : i32
      %dma_start3A_47 = arith.constant 0 : i32
      %dma_start3A_48 = tpu.memref_slice %arg2[%add3A_46, %dma_start3A_47] : memref<32768x1024xf32, #tpu.memory_space<hbm>> -> memref<16x1024xf32, #tpu.memory_space<hbm>>
      %dma_start3A_49 = arith.constant 0 : i32
      %dma_start3A_50 = tpu.memref_slice %arg2[%add3A_46, %dma_start3A_49] : memref<32768x1024xf32, #tpu.memory_space<hbm>> -> memref<16x1024xf32, #tpu.memory_space<hbm>>
      tpu.enqueue_dma source(%dma_start3A_50 : memref<16x1024xf32, #tpu.memory_space<hbm>>) target(%arg7 : memref<16x1024xf32, #tpu.memory_space<vmem>>) target_semaphore(%arg11 : memref<!tpu.dma_semaphore, #tpu.memory_space<semaphore_mem>>)
      %dma_wait3A_51 = arith.constant 0 : i32
      %dma_wait3A_52 = tpu.memref_slice %arg2[%add3A_28, %dma_wait3A_51] : memref<32768x1024xf32, #tpu.memory_space<hbm>> -> memref<16x1024xf32, #tpu.memory_space<hbm>>
      %dma_wait3A_53 = arith.constant 0 : i32
      %dma_wait3A_54 = tpu.memref_slice %arg2[%add3A_28, %dma_wait3A_53] : memref<32768x1024xf32, #tpu.memory_space<hbm>> -> memref<16x1024xf32, #tpu.memory_space<hbm>>
      tpu.wait_dma2 semaphore(%arg10 : memref<!tpu.dma_semaphore, #tpu.memory_space<semaphore_mem>>) src(%dma_wait3A_54 : memref<16x1024xf32, #tpu.memory_space<hbm>>) dst(%arg6 : memref<16x1024xf32, #tpu.memory_space<vmem>>)
      %parallel_loop3A_55 = arith.constant 0 : i32
      %parallel_loop3A_56 = arith.constant 64 : i32
      %parallel_loop3A_57 = arith.constant 1 : i32
      scf.for %parallel_loop3A_112 = %parallel_loop3A_55 to %parallel_loop3A_56 step %parallel_loop3A_57  : i32 {
        %parallel_loop3A_113 = arith.constant 16 : i32
        %parallel_loop3A_114 = arith.muli %parallel_loop3A_112, %parallel_loop3A_113 : i32
        %parallel_loop3A_115 = arith.constant 0 : i32
        %parallel_loop3A_116 = arith.index_cast %parallel_loop3A_115 : i32 to index
        %parallel_loop3A_117 = arith.index_cast %parallel_loop3A_114 : i32 to index
        %parallel_loop3A_118 = tpu.vector_load %arg8[%parallel_loop3A_116, %parallel_loop3A_117] {strides = array<i32>} : memref<16x1024xf32, #tpu.memory_space<vmem>>, vector<1x16xf32>,
        %parallel_loop3A_119 = vector.shape_cast %parallel_loop3A_118 : vector<1x16xf32> to vector<16xf32>
        %parallel_loop3A_120 = arith.constant 0 : i32
        %parallel_loop3A_121 = arith.index_cast %parallel_loop3A_120 : i32 to index
        %parallel_loop3A_122 = arith.index_cast %parallel_loop3A_114 : i32 to index
        %parallel_loop3A_123 = tpu.vector_load %arg6[%parallel_loop3A_121, %parallel_loop3A_122] {strides = array<i32>} : memref<16x1024xf32, #tpu.memory_space<vmem>>, vector<1x16xf32>,
        %parallel_loop3A_124 = vector.shape_cast %parallel_loop3A_123 : vector<1x16xf32> to vector<16xf32>
        %parallel_loop3A_125 = vector.shape_cast %parallel_loop3A_119 : vector<16xf32> to vector<1x16xf32>
        tpu.vector_store %arg6[%parallel_loop3A_121, %parallel_loop3A_122], %parallel_loop3A_125 {add = true, strides = array<i32>} : memref<16x1024xf32, #tpu.memory_space<vmem>>, vector<1x16xf32>,
        %parallel_loop3A_126 = arith.constant 1 : i32
        %parallel_loop3A_127 = arith.index_cast %parallel_loop3A_126 : i32 to index
        %parallel_loop3A_128 = arith.index_cast %parallel_loop3A_114 : i32 to index
        %parallel_loop3A_129 = tpu.vector_load %arg8[%parallel_loop3A_127, %parallel_loop3A_128] {strides = array<i32>} : memref<16x1024xf32, #tpu.memory_space<vmem>>, vector<1x16xf32>,
        %parallel_loop3A_130 = vector.shape_cast %parallel_loop3A_129 : vector<1x16xf32> to vector<16xf32>
        %parallel_loop3A_131 = arith.constant 1 : i32
        %parallel_loop3A_132 = arith.index_cast %parallel_loop3A_131 : i32 to index
        %parallel_loop3A_133 = arith.index_cast %parallel_loop3A_114 : i32 to index
        %parallel_loop3A_134 = tpu.vector_load %arg6[%parallel_loop3A_132, %parallel_loop3A_133] {strides = array<i32>} : memref<16x1024xf32, #tpu.memory_space<vmem>>, vector<1x16xf32>,
        %parallel_loop3A_135 = vector.shape_cast %parallel_loop3A_134 : vector<1x16xf32> to vector<16xf32>
        %parallel_loop3A_136 = vector.shape_cast %parallel_loop3A_130 : vector<16xf32> to vector<1x16xf32>
        tpu.vector_store %arg6[%parallel_loop3A_132, %parallel_loop3A_133], %parallel_loop3A_136 {add = true, strides = array<i32>} : memref<16x1024xf32, #tpu.memory_space<vmem>>, vector<1x16xf32>,
        %parallel_loop3A_137 = arith.constant 2 : i32
        %parallel_loop3A_138 = arith.index_cast %parallel_loop3A_137 : i32 to index
        %parallel_loop3A_139 = arith.index_cast %parallel_loop3A_114 : i32 to index
        %parallel_loop3A_140 = tpu.vector_load %arg8[%parallel_loop3A_138, %parallel_loop3A_139] {strides = array<i32>} : memref<16x1024xf32, #tpu.memory_space<vmem>>, vector<1x16xf32>,
        %parallel_loop3A_141 = vector.shape_cast %parallel_loop3A_140 : vector<1x16xf32> to vector<16xf32>
        %parallel_loop3A_142 = arith.constant 2 : i32
        %parallel_loop3A_143 = arith.index_cast %parallel_loop3A_142 : i32 to index
        %parallel_loop3A_144 = arith.index_cast %parallel_loop3A_114 : i32 to index
        %parallel_loop3A_145 = tpu.vector_load %arg6[%parallel_loop3A_143, %parallel_loop3A_144] {strides = array<i32>} : memref<16x1024xf32, #tpu.memory_space<vmem>>, vector<1x16xf32>,
        %parallel_loop3A_146 = vector.shape_cast %parallel_loop3A_145 : vector<1x16xf32> to vector<16xf32>
        %parallel_loop3A_147 = vector.shape_cast %parallel_loop3A_141 : vector<16xf32> to vector<1x16xf32>
        tpu.vector_store %arg6[%parallel_loop3A_143, %parallel_loop3A_144], %parallel_loop3A_147 {add = true, strides = array<i32>} : memref<16x1024xf32, #tpu.memory_space<vmem>>, vector<1x16xf32>,
        %parallel_loop3A_148 = arith.constant 3 : i32
        %parallel_loop3A_149 = arith.index_cast %parallel_loop3A_148 : i32 to index
        %parallel_loop3A_150 = arith.index_cast %parallel_loop3A_114 : i32 to index
        %parallel_loop3A_151 = tpu.vector_load %arg8[%parallel_loop3A_149, %parallel_loop3A_150] {strides = array<i32>} : memref<16x1024xf32, #tpu.memory_space<vmem>>, vector<1x16xf32>,
        %parallel_loop3A_152 = vector.shape_cast %parallel_loop3A_151 : vector<1x16xf32> to vector<16xf32>
        %parallel_loop3A_153 = arith.constant 3 : i32
        %parallel_loop3A_154 = arith.index_cast %parallel_loop3A_153 : i32 to index
        %parallel_loop3A_155 = arith.index_cast %parallel_loop3A_114 : i32 to index
        %parallel_loop3A_156 = tpu.vector_load %arg6[%parallel_loop3A_154, %parallel_loop3A_155] {strides = array<i32>} : memref<16x1024xf32, #tpu.memory_space<vmem>>, vector<1x16xf32>,
        %parallel_loop3A_157 = vector.shape_cast %parallel_loop3A_156 : vector<1x16xf32> to vector<16xf32>
        %parallel_loop3A_158 = vector.shape_cast %parallel_loop3A_152 : vector<16xf32> to vector<1x16xf32>
        tpu.vector_store %arg6[%parallel_loop3A_154, %parallel_loop3A_155], %parallel_loop3A_158 {add = true, strides = array<i32>} : memref<16x1024xf32, #tpu.memory_space<vmem>>, vector<1x16xf32>,
        %parallel_loop3A_159 = arith.constant 4 : i32
        %parallel_loop3A_160 = arith.index_cast %parallel_loop3A_159 : i32 to index
        %parallel_loop3A_161 = arith.index_cast %parallel_loop3A_114 : i32 to index
        %parallel_loop3A_162 = tpu.vector_load %arg8[%parallel_loop3A_160, %parallel_loop3A_161] {strides = array<i32>} : memref<16x1024xf32, #tpu.memory_space<vmem>>, vector<1x16xf32>,
        %parallel_loop3A_163 = vector.shape_cast %parallel_loop3A_162 : vector<1x16xf32> to vector<16xf32>
        %parallel_loop3A_164 = arith.constant 4 : i32
        %parallel_loop3A_165 = arith.index_cast %parallel_loop3A_164 : i32 to index
        %parallel_loop3A_166 = arith.index_cast %parallel_loop3A_114 : i32 to index
        %parallel_loop3A_167 = tpu.vector_load %arg6[%parallel_loop3A_165, %parallel_loop3A_166] {strides = array<i32>} : memref<16x1024xf32, #tpu.memory_space<vmem>>, vector<1x16xf32>,
        %parallel_loop3A_168 = vector.shape_cast %parallel_loop3A_167 : vector<1x16xf32> to vector<16xf32>
        %parallel_loop3A_169 = vector.shape_cast %parallel_loop3A_163 : vector<16xf32> to vector<1x16xf32>
        tpu.vector_store %arg6[%parallel_loop3A_165, %parallel_loop3A_166], %parallel_loop3A_169 {add = true, strides = array<i32>} : memref<16x1024xf32, #tpu.memory_space<vmem>>, vector<1x16xf32>,
        %parallel_loop3A_170 = arith.constant 5 : i32
        %parallel_loop3A_171 = arith.index_cast %parallel_loop3A_170 : i32 to index
        %parallel_loop3A_172 = arith.index_cast %parallel_loop3A_114 : i32 to index
        %parallel_loop3A_173 = tpu.vector_load %arg8[%parallel_loop3A_171, %parallel_loop3A_172] {strides = array<i32>} : memref<16x1024xf32, #tpu.memory_space<vmem>>, vector<1x16xf32>,
        %parallel_loop3A_174 = vector.shape_cast %parallel_loop3A_173 : vector<1x16xf32> to vector<16xf32>
        %parallel_loop3A_175 = arith.constant 5 : i32
        %parallel_loop3A_176 = arith.index_cast %parallel_loop3A_175 : i32 to index
        %parallel_loop3A_177 = arith.index_cast %parallel_loop3A_114 : i32 to index
        %parallel_loop3A_178 = tpu.vector_load %arg6[%parallel_loop3A_176, %parallel_loop3A_177] {strides = array<i32>} : memref<16x1024xf32, #tpu.memory_space<vmem>>, vector<1x16xf32>,
        %parallel_loop3A_179 = vector.shape_cast %parallel_loop3A_178 : vector<1x16xf32> to vector<16xf32>
        %parallel_loop3A_180 = vector.shape_cast %parallel_loop3A_174 : vector<16xf32> to vector<1x16xf32>
        tpu.vector_store %arg6[%parallel_loop3A_176, %parallel_loop3A_177], %parallel_loop3A_180 {add = true, strides = array<i32>} : memref<16x1024xf32, #tpu.memory_space<vmem>>, vector<1x16xf32>,
        %parallel_loop3A_181 = arith.constant 6 : i32
        %parallel_loop3A_182 = arith.index_cast %parallel_loop3A_181 : i32 to index
        %parallel_loop3A_183 = arith.index_cast %parallel_loop3A_114 : i32 to index
        %parallel_loop3A_184 = tpu.vector_load %arg8[%parallel_loop3A_182, %parallel_loop3A_183] {strides = array<i32>} : memref<16x1024xf32, #tpu.memory_space<vmem>>, vector<1x16xf32>,
        %parallel_loop3A_185 = vector.shape_cast %parallel_loop3A_184 : vector<1x16xf32> to vector<16xf32>
        %parallel_loop3A_186 = arith.constant 6 : i32
        %parallel_loop3A_187 = arith.index_cast %parallel_loop3A_186 : i32 to index
        %parallel_loop3A_188 = arith.index_cast %parallel_loop3A_114 : i32 to index
        %parallel_loop3A_189 = tpu.vector_load %arg6[%parallel_loop3A_187, %parallel_loop3A_188] {strides = array<i32>} : memref<16x1024xf32, #tpu.memory_space<vmem>>, vector<1x16xf32>,
        %parallel_loop3A_190 = vector.shape_cast %parallel_loop3A_189 : vector<1x16xf32> to vector<16xf32>
        %parallel_loop3A_191 = vector.shape_cast %parallel_loop3A_185 : vector<16xf32> to vector<1x16xf32>
        tpu.vector_store %arg6[%parallel_loop3A_187, %parallel_loop3A_188], %parallel_loop3A_191 {add = true, strides = array<i32>} : memref<16x1024xf32, #tpu.memory_space<vmem>>, vector<1x16xf32>,
        %parallel_loop3A_192 = arith.constant 7 : i32
        %parallel_loop3A_193 = arith.index_cast %parallel_loop3A_192 : i32 to index
        %parallel_loop3A_194 = arith.index_cast %parallel_loop3A_114 : i32 to index
        %parallel_loop3A_195 = tpu.vector_load %arg8[%parallel_loop3A_193, %parallel_loop3A_194] {strides = array<i32>} : memref<16x1024xf32, #tpu.memory_space<vmem>>, vector<1x16xf32>,
        %parallel_loop3A_196 = vector.shape_cast %parallel_loop3A_195 : vector<1x16xf32> to vector<16xf32>
        %parallel_loop3A_197 = arith.constant 7 : i32
        %parallel_loop3A_198 = arith.index_cast %parallel_loop3A_197 : i32 to index
        %parallel_loop3A_199 = arith.index_cast %parallel_loop3A_114 : i32 to index
        %parallel_loop3A_200 = tpu.vector_load %arg6[%parallel_loop3A_198, %parallel_loop3A_199] {strides = array<i32>} : memref<16x1024xf32, #tpu.memory_space<vmem>>, vector<1x16xf32>,
        %parallel_loop3A_201 = vector.shape_cast %parallel_loop3A_200 : vector<1x16xf32> to vector<16xf32>
        %parallel_loop3A_202 = vector.shape_cast %parallel_loop3A_196 : vector<16xf32> to vector<1x16xf32>
        tpu.vector_store %arg6[%parallel_loop3A_198, %parallel_loop3A_199], %parallel_loop3A_202 {add = true, strides = array<i32>} : memref<16x1024xf32, #tpu.memory_space<vmem>>, vector<1x16xf32>,
        %parallel_loop3A_203 = arith.constant 8 : i32
        %parallel_loop3A_204 = arith.index_cast %parallel_loop3A_203 : i32 to index
        %parallel_loop3A_205 = arith.index_cast %parallel_loop3A_114 : i32 to index
        %parallel_loop3A_206 = tpu.vector_load %arg8[%parallel_loop3A_204, %parallel_loop3A_205] {strides = array<i32>} : memref<16x1024xf32, #tpu.memory_space<vmem>>, vector<1x16xf32>,
        %parallel_loop3A_207 = vector.shape_cast %parallel_loop3A_206 : vector<1x16xf32> to vector<16xf32>
        %parallel_loop3A_208 = arith.constant 8 : i32
        %parallel_loop3A_209 = arith.index_cast %parallel_loop3A_208 : i32 to index
        %parallel_loop3A_210 = arith.index_cast %parallel_loop3A_114 : i32 to index
        %parallel_loop3A_211 = tpu.vector_load %arg6[%parallel_loop3A_209, %parallel_loop3A_210] {strides = array<i32>} : memref<16x1024xf32, #tpu.memory_space<vmem>>, vector<1x16xf32>,
        %parallel_loop3A_212 = vector.shape_cast %parallel_loop3A_211 : vector<1x16xf32> to vector<16xf32>
        %parallel_loop3A_213 = vector.shape_cast %parallel_loop3A_207 : vector<16xf32> to vector<1x16xf32>
        tpu.vector_store %arg6[%parallel_loop3A_209, %parallel_loop3A_210], %parallel_loop3A_213 {add = true, strides = array<i32>} : memref<16x1024xf32, #tpu.memory_space<vmem>>, vector<1x16xf32>,
        %parallel_loop3A_214 = arith.constant 9 : i32
        %parallel_loop3A_215 = arith.index_cast %parallel_loop3A_214 : i32 to index
        %parallel_loop3A_216 = arith.index_cast %parallel_loop3A_114 : i32 to index
        %parallel_loop3A_217 = tpu.vector_load %arg8[%parallel_loop3A_215, %parallel_loop3A_216] {strides = array<i32>} : memref<16x1024xf32, #tpu.memory_space<vmem>>, vector<1x16xf32>,
        %parallel_loop3A_218 = vector.shape_cast %parallel_loop3A_217 : vector<1x16xf32> to vector<16xf32>
        %parallel_loop3A_219 = arith.constant 9 : i32
        %parallel_loop3A_220 = arith.index_cast %parallel_loop3A_219 : i32 to index
        %parallel_loop3A_221 = arith.index_cast %parallel_loop3A_114 : i32 to index
        %parallel_loop3A_222 = tpu.vector_load %arg6[%parallel_loop3A_220, %parallel_loop3A_221] {strides = array<i32>} : memref<16x1024xf32, #tpu.memory_space<vmem>>, vector<1x16xf32>,
        %parallel_loop3A_223 = vector.shape_cast %parallel_loop3A_222 : vector<1x16xf32> to vector<16xf32>
        %parallel_loop3A_224 = vector.shape_cast %parallel_loop3A_218 : vector<16xf32> to vector<1x16xf32>
        tpu.vector_store %arg6[%parallel_loop3A_220, %parallel_loop3A_221], %parallel_loop3A_224 {add = true, strides = array<i32>} : memref<16x1024xf32, #tpu.memory_space<vmem>>, vector<1x16xf32>,
        %parallel_loop3A_225 = arith.constant 10 : i32
        %parallel_loop3A_226 = arith.index_cast %parallel_loop3A_225 : i32 to index
        %parallel_loop3A_227 = arith.index_cast %parallel_loop3A_114 : i32 to index
        %parallel_loop3A_228 = tpu.vector_load %arg8[%parallel_loop3A_226, %parallel_loop3A_227] {strides = array<i32>} : memref<16x1024xf32, #tpu.memory_space<vmem>>, vector<1x16xf32>,
        %parallel_loop3A_229 = vector.shape_cast %parallel_loop3A_228 : vector<1x16xf32> to vector<16xf32>
        %parallel_loop3A_230 = arith.constant 10 : i32
        %parallel_loop3A_231 = arith.index_cast %parallel_loop3A_230 : i32 to index
        %parallel_loop3A_232 = arith.index_cast %parallel_loop3A_114 : i32 to index
        %parallel_loop3A_233 = tpu.vector_load %arg6[%parallel_loop3A_231, %parallel_loop3A_232] {strides = array<i32>} : memref<16x1024xf32, #tpu.memory_space<vmem>>, vector<1x16xf32>,
        %parallel_loop3A_234 = vector.shape_cast %parallel_loop3A_233 : vector<1x16xf32> to vector<16xf32>
        %parallel_loop3A_235 = vector.shape_cast %parallel_loop3A_229 : vector<16xf32> to vector<1x16xf32>
        tpu.vector_store %arg6[%parallel_loop3A_231, %parallel_loop3A_232], %parallel_loop3A_235 {add = true, strides = array<i32>} : memref<16x1024xf32, #tpu.memory_space<vmem>>, vector<1x16xf32>,
        %parallel_loop3A_236 = arith.constant 11 : i32
        %parallel_loop3A_237 = arith.index_cast %parallel_loop3A_236 : i32 to index
        %parallel_loop3A_238 = arith.index_cast %parallel_loop3A_114 : i32 to index
        %parallel_loop3A_239 = tpu.vector_load %arg8[%parallel_loop3A_237, %parallel_loop3A_238] {strides = array<i32>} : memref<16x1024xf32, #tpu.memory_space<vmem>>, vector<1x16xf32>,
        %parallel_loop3A_240 = vector.shape_cast %parallel_loop3A_239 : vector<1x16xf32> to vector<16xf32>
        %parallel_loop3A_241 = arith.constant 11 : i32
        %parallel_loop3A_242 = arith.index_cast %parallel_loop3A_241 : i32 to index
        %parallel_loop3A_243 = arith.index_cast %parallel_loop3A_114 : i32 to index
        %parallel_loop3A_244 = tpu.vector_load %arg6[%parallel_loop3A_242, %parallel_loop3A_243] {strides = array<i32>} : memref<16x1024xf32, #tpu.memory_space<vmem>>, vector<1x16xf32>,
        %parallel_loop3A_245 = vector.shape_cast %parallel_loop3A_244 : vector<1x16xf32> to vector<16xf32>
        %parallel_loop3A_246 = vector.shape_cast %parallel_loop3A_240 : vector<16xf32> to vector<1x16xf32>
        tpu.vector_store %arg6[%parallel_loop3A_242, %parallel_loop3A_243], %parallel_loop3A_246 {add = true, strides = array<i32>} : memref<16x1024xf32, #tpu.memory_space<vmem>>, vector<1x16xf32>,
        %parallel_loop3A_247 = arith.constant 12 : i32
        %parallel_loop3A_248 = arith.index_cast %parallel_loop3A_247 : i32 to index
        %parallel_loop3A_249 = arith.index_cast %parallel_loop3A_114 : i32 to index
        %parallel_loop3A_250 = tpu.vector_load %arg8[%parallel_loop3A_248, %parallel_loop3A_249] {strides = array<i32>} : memref<16x1024xf32, #tpu.memory_space<vmem>>, vector<1x16xf32>,
        %parallel_loop3A_251 = vector.shape_cast %parallel_loop3A_250 : vector<1x16xf32> to vector<16xf32>
        %parallel_loop3A_252 = arith.constant 12 : i32
        %parallel_loop3A_253 = arith.index_cast %parallel_loop3A_252 : i32 to index
        %parallel_loop3A_254 = arith.index_cast %parallel_loop3A_114 : i32 to index
        %parallel_loop3A_255 = tpu.vector_load %arg6[%parallel_loop3A_253, %parallel_loop3A_254] {strides = array<i32>} : memref<16x1024xf32, #tpu.memory_space<vmem>>, vector<1x16xf32>,
        %parallel_loop3A_256 = vector.shape_cast %parallel_loop3A_255 : vector<1x16xf32> to vector<16xf32>
        %parallel_loop3A_257 = vector.shape_cast %parallel_loop3A_251 : vector<16xf32> to vector<1x16xf32>
        tpu.vector_store %arg6[%parallel_loop3A_253, %parallel_loop3A_254], %parallel_loop3A_257 {add = true, strides = array<i32>} : memref<16x1024xf32, #tpu.memory_space<vmem>>, vector<1x16xf32>,
        %parallel_loop3A_258 = arith.constant 13 : i32
        %parallel_loop3A_259 = arith.index_cast %parallel_loop3A_258 : i32 to index
        %parallel_loop3A_260 = arith.index_cast %parallel_loop3A_114 : i32 to index
        %parallel_loop3A_261 = tpu.vector_load %arg8[%parallel_loop3A_259, %parallel_loop3A_260] {strides = array<i32>} : memref<16x1024xf32, #tpu.memory_space<vmem>>, vector<1x16xf32>,
        %parallel_loop3A_262 = vector.shape_cast %parallel_loop3A_261 : vector<1x16xf32> to vector<16xf32>
        %parallel_loop3A_263 = arith.constant 13 : i32
        %parallel_loop3A_264 = arith.index_cast %parallel_loop3A_263 : i32 to index
        %parallel_loop3A_265 = arith.index_cast %parallel_loop3A_114 : i32 to index
        %parallel_loop3A_266 = tpu.vector_load %arg6[%parallel_loop3A_264, %parallel_loop3A_265] {strides = array<i32>} : memref<16x1024xf32, #tpu.memory_space<vmem>>, vector<1x16xf32>,
        %parallel_loop3A_267 = vector.shape_cast %parallel_loop3A_266 : vector<1x16xf32> to vector<16xf32>
        %parallel_loop3A_268 = vector.shape_cast %parallel_loop3A_262 : vector<16xf32> to vector<1x16xf32>
        tpu.vector_store %arg6[%parallel_loop3A_264, %parallel_loop3A_265], %parallel_loop3A_268 {add = true, strides = array<i32>} : memref<16x1024xf32, #tpu.memory_space<vmem>>, vector<1x16xf32>,
        %parallel_loop3A_269 = arith.constant 14 : i32
        %parallel_loop3A_270 = arith.index_cast %parallel_loop3A_269 : i32 to index
        %parallel_loop3A_271 = arith.index_cast %parallel_loop3A_114 : i32 to index
        %parallel_loop3A_272 = tpu.vector_load %arg8[%parallel_loop3A_270, %parallel_loop3A_271] {strides = array<i32>} : memref<16x1024xf32, #tpu.memory_space<vmem>>, vector<1x16xf32>,
        %parallel_loop3A_273 = vector.shape_cast %parallel_loop3A_272 : vector<1x16xf32> to vector<16xf32>
        %parallel_loop3A_274 = arith.constant 14 : i32
        %parallel_loop3A_275 = arith.index_cast %parallel_loop3A_274 : i32 to index
        %parallel_loop3A_276 = arith.index_cast %parallel_loop3A_114 : i32 to index
        %parallel_loop3A_277 = tpu.vector_load %arg6[%parallel_loop3A_275, %parallel_loop3A_276] {strides = array<i32>} : memref<16x1024xf32, #tpu.memory_space<vmem>>, vector<1x16xf32>,
        %parallel_loop3A_278 = vector.shape_cast %parallel_loop3A_277 : vector<1x16xf32> to vector<16xf32>
        %parallel_loop3A_279 = vector.shape_cast %parallel_loop3A_273 : vector<16xf32> to vector<1x16xf32>
        tpu.vector_store %arg6[%parallel_loop3A_275, %parallel_loop3A_276], %parallel_loop3A_279 {add = true, strides = array<i32>} : memref<16x1024xf32, #tpu.memory_space<vmem>>, vector<1x16xf32>,
        %parallel_loop3A_280 = arith.constant 15 : i32
        %parallel_loop3A_281 = arith.index_cast %parallel_loop3A_280 : i32 to index
        %parallel_loop3A_282 = arith.index_cast %parallel_loop3A_114 : i32 to index
        %parallel_loop3A_283 = tpu.vector_load %arg8[%parallel_loop3A_281, %parallel_loop3A_282] {strides = array<i32>} : memref<16x1024xf32, #tpu.memory_space<vmem>>, vector<1x16xf32>,
        %parallel_loop3A_284 = vector.shape_cast %parallel_loop3A_283 : vector<1x16xf32> to vector<16xf32>
        %parallel_loop3A_285 = arith.constant 15 : i32
        %parallel_loop3A_286 = arith.index_cast %parallel_loop3A_285 : i32 to index
        %parallel_loop3A_287 = arith.index_cast %parallel_loop3A_114 : i32 to index
        %parallel_loop3A_288 = tpu.vector_load %arg6[%parallel_loop3A_286, %parallel_loop3A_287] {strides = array<i32>} : memref<16x1024xf32, #tpu.memory_space<vmem>>, vector<1x16xf32>,
        %parallel_loop3A_289 = vector.shape_cast %parallel_loop3A_288 : vector<1x16xf32> to vector<16xf32>
        %parallel_loop3A_290 = vector.shape_cast %parallel_loop3A_284 : vector<16xf32> to vector<1x16xf32>
        tpu.vector_store %arg6[%parallel_loop3A_286, %parallel_loop3A_287], %parallel_loop3A_290 {add = true, strides = array<i32>} : memref<16x1024xf32, #tpu.memory_space<vmem>>, vector<1x16xf32>,
      } {sc.loop_unroll_factor = 2 : i64, sc.parallel_access}
      %add3A_58 = arith.constant 8192 : i32
      %add3A_59 = arith.addi %add3A_58, %add3A_14 : i32
      %dma_start3A_60 = arith.constant 0 : i32
      %dma_start3A_61 = tpu.memref_slice %arg4[%add3A_59, %dma_start3A_60] : memref<32768x1024xf32, #tpu.memory_space<hbm>> -> memref<16x1024xf32, #tpu.memory_space<hbm>>
      %dma_start3A_62 = arith.constant 0 : i32
      %dma_start3A_63 = tpu.memref_slice %arg4[%add3A_59, %dma_start3A_62] : memref<32768x1024xf32, #tpu.memory_space<hbm>> -> memref<16x1024xf32, #tpu.memory_space<hbm>>
      tpu.enqueue_dma source(%arg6 : memref<16x1024xf32, #tpu.memory_space<vmem>>) target(%dma_start3A_63 : memref<16x1024xf32, #tpu.memory_space<hbm>>) target_semaphore(%arg13 : memref<!tpu.dma_semaphore, #tpu.memory_space<semaphore_mem>>)
      %dma_wait3A_64 = arith.constant 0 : i32
      %dma_wait3A_65 = tpu.memref_slice %arg4[%add3A_40, %dma_wait3A_64] : memref<32768x1024xf32, #tpu.memory_space<hbm>> -> memref<16x1024xf32, #tpu.memory_space<hbm>>
      %dma_wait3A_66 = arith.constant 0 : i32
      %dma_wait3A_67 = tpu.memref_slice %arg4[%add3A_40, %dma_wait3A_66] : memref<32768x1024xf32, #tpu.memory_space<hbm>> -> memref<16x1024xf32, #tpu.memory_space<hbm>>
      tpu.wait_dma2 semaphore(%arg12 : memref<!tpu.dma_semaphore, #tpu.memory_space<semaphore_mem>>) src(%arg5 : memref<16x1024xf32, #tpu.memory_space<vmem>>) dst(%dma_wait3A_67 : memref<16x1024xf32, #tpu.memory_space<hbm>>)
      %add3A_68 = arith.constant 24576 : i32
      %add3A_69 = arith.addi %add3A_68, %add3A_14 : i32
      %dma_start3A_70 = arith.constant 0 : i32
      %dma_start3A_71 = tpu.memref_slice %arg2[%add3A_69, %dma_start3A_70] : memref<32768x1024xf32, #tpu.memory_space<hbm>> -> memref<16x1024xf32, #tpu.memory_space<hbm>>
      %dma_start3A_72 = arith.constant 0 : i32
      %dma_start3A_73 = tpu.memref_slice %arg2[%add3A_69, %dma_start3A_72] : memref<32768x1024xf32, #tpu.memory_space<hbm>> -> memref<16x1024xf32, #tpu.memory_space<hbm>>
      tpu.enqueue_dma source(%dma_start3A_73 : memref<16x1024xf32, #tpu.memory_space<hbm>>) target(%arg5 : memref<16x1024xf32, #tpu.memory_space<vmem>>) target_semaphore(%arg9 : memref<!tpu.dma_semaphore, #tpu.memory_space<semaphore_mem>>)
      %dma_wait3A_74 = arith.constant 0 : i32
      %dma_wait3A_75 = tpu.memref_slice %arg2[%add3A_46, %dma_wait3A_74] : memref<32768x1024xf32, #tpu.memory_space<hbm>> -> memref<16x1024xf32, #tpu.memory_space<hbm>>
      %dma_wait3A_76 = arith.constant 0 : i32
      %dma_wait3A_77 = tpu.memref_slice %arg2[%add3A_46, %dma_wait3A_76] : memref<32768x1024xf32, #tpu.memory_space<hbm>> -> memref<16x1024xf32, #tpu.memory_space<hbm>>
      tpu.wait_dma2 semaphore(%arg11 : memref<!tpu.dma_semaphore, #tpu.memory_space<semaphore_mem>>) src(%dma_wait3A_77 : memref<16x1024xf32, #tpu.memory_space<hbm>>) dst(%arg7 : memref<16x1024xf32, #tpu.memory_space<vmem>>)
      %parallel_loop3A_78 = arith.constant 0 : i32
      %parallel_loop3A_79 = arith.constant 64 : i32
      %parallel_loop3A_80 = arith.constant 1 : i32
      scf.for %parallel_loop3A_112 = %parallel_loop3A_78 to %parallel_loop3A_79 step %parallel_loop3A_80  : i32 {
        %parallel_loop3A_113 = arith.constant 16 : i32
        %parallel_loop3A_114 = arith.muli %parallel_loop3A_112, %parallel_loop3A_113 : i32
        %parallel_loop3A_115 = arith.constant 0 : i32
        %parallel_loop3A_116 = arith.index_cast %parallel_loop3A_115 : i32 to index
        %parallel_loop3A_117 = arith.index_cast %parallel_loop3A_114 : i32 to index
        %parallel_loop3A_118 = tpu.vector_load %arg8[%parallel_loop3A_116, %parallel_loop3A_117] {strides = array<i32>} : memref<16x1024xf32, #tpu.memory_space<vmem>>, vector<1x16xf32>,
        %parallel_loop3A_119 = vector.shape_cast %parallel_loop3A_118 : vector<1x16xf32> to vector<16xf32>
        %parallel_loop3A_120 = arith.constant 0 : i32
        %parallel_loop3A_121 = arith.index_cast %parallel_loop3A_120 : i32 to index
        %parallel_loop3A_122 = arith.index_cast %parallel_loop3A_114 : i32 to index
        %parallel_loop3A_123 = tpu.vector_load %arg7[%parallel_loop3A_121, %parallel_loop3A_122] {strides = array<i32>} : memref<16x1024xf32, #tpu.memory_space<vmem>>, vector<1x16xf32>,
        %parallel_loop3A_124 = vector.shape_cast %parallel_loop3A_123 : vector<1x16xf32> to vector<16xf32>
        %parallel_loop3A_125 = vector.shape_cast %parallel_loop3A_119 : vector<16xf32> to vector<1x16xf32>
        tpu.vector_store %arg7[%parallel_loop3A_121, %parallel_loop3A_122], %parallel_loop3A_125 {add = true, strides = array<i32>} : memref<16x1024xf32, #tpu.memory_space<vmem>>, vector<1x16xf32>,
        %parallel_loop3A_126 = arith.constant 1 : i32
        %parallel_loop3A_127 = arith.index_cast %parallel_loop3A_126 : i32 to index
        %parallel_loop3A_128 = arith.index_cast %parallel_loop3A_114 : i32 to index
        %parallel_loop3A_129 = tpu.vector_load %arg8[%parallel_loop3A_127, %parallel_loop3A_128] {strides = array<i32>} : memref<16x1024xf32, #tpu.memory_space<vmem>>, vector<1x16xf32>,
        %parallel_loop3A_130 = vector.shape_cast %parallel_loop3A_129 : vector<1x16xf32> to vector<16xf32>
        %parallel_loop3A_131 = arith.constant 1 : i32
        %parallel_loop3A_132 = arith.index_cast %parallel_loop3A_131 : i32 to index
        %parallel_loop3A_133 = arith.index_cast %parallel_loop3A_114 : i32 to index
        %parallel_loop3A_134 = tpu.vector_load %arg7[%parallel_loop3A_132, %parallel_loop3A_133] {strides = array<i32>} : memref<16x1024xf32, #tpu.memory_space<vmem>>, vector<1x16xf32>,
        %parallel_loop3A_135 = vector.shape_cast %parallel_loop3A_134 : vector<1x16xf32> to vector<16xf32>
        %parallel_loop3A_136 = vector.shape_cast %parallel_loop3A_130 : vector<16xf32> to vector<1x16xf32>
        tpu.vector_store %arg7[%parallel_loop3A_132, %parallel_loop3A_133], %parallel_loop3A_136 {add = true, strides = array<i32>} : memref<16x1024xf32, #tpu.memory_space<vmem>>, vector<1x16xf32>,
        %parallel_loop3A_137 = arith.constant 2 : i32
        %parallel_loop3A_138 = arith.index_cast %parallel_loop3A_137 : i32 to index
        %parallel_loop3A_139 = arith.index_cast %parallel_loop3A_114 : i32 to index
        %parallel_loop3A_140 = tpu.vector_load %arg8[%parallel_loop3A_138, %parallel_loop3A_139] {strides = array<i32>} : memref<16x1024xf32, #tpu.memory_space<vmem>>, vector<1x16xf32>,
        %parallel_loop3A_141 = vector.shape_cast %parallel_loop3A_140 : vector<1x16xf32> to vector<16xf32>
        %parallel_loop3A_142 = arith.constant 2 : i32
        %parallel_loop3A_143 = arith.index_cast %parallel_loop3A_142 : i32 to index
        %parallel_loop3A_144 = arith.index_cast %parallel_loop3A_114 : i32 to index
        %parallel_loop3A_145 = tpu.vector_load %arg7[%parallel_loop3A_143, %parallel_loop3A_144] {strides = array<i32>} : memref<16x1024xf32, #tpu.memory_space<vmem>>, vector<1x16xf32>,
        %parallel_loop3A_146 = vector.shape_cast %parallel_loop3A_145 : vector<1x16xf32> to vector<16xf32>
        %parallel_loop3A_147 = vector.shape_cast %parallel_loop3A_141 : vector<16xf32> to vector<1x16xf32>
        tpu.vector_store %arg7[%parallel_loop3A_143, %parallel_loop3A_144], %parallel_loop3A_147 {add = true, strides = array<i32>} : memref<16x1024xf32, #tpu.memory_space<vmem>>, vector<1x16xf32>,
        %parallel_loop3A_148 = arith.constant 3 : i32
        %parallel_loop3A_149 = arith.index_cast %parallel_loop3A_148 : i32 to index
        %parallel_loop3A_150 = arith.index_cast %parallel_loop3A_114 : i32 to index
        %parallel_loop3A_151 = tpu.vector_load %arg8[%parallel_loop3A_149, %parallel_loop3A_150] {strides = array<i32>} : memref<16x1024xf32, #tpu.memory_space<vmem>>, vector<1x16xf32>,
        %parallel_loop3A_152 = vector.shape_cast %parallel_loop3A_151 : vector<1x16xf32> to vector<16xf32>
        %parallel_loop3A_153 = arith.constant 3 : i32
        %parallel_loop3A_154 = arith.index_cast %parallel_loop3A_153 : i32 to index
        %parallel_loop3A_155 = arith.index_cast %parallel_loop3A_114 : i32 to index
        %parallel_loop3A_156 = tpu.vector_load %arg7[%parallel_loop3A_154, %parallel_loop3A_155] {strides = array<i32>} : memref<16x1024xf32, #tpu.memory_space<vmem>>, vector<1x16xf32>,
        %parallel_loop3A_157 = vector.shape_cast %parallel_loop3A_156 : vector<1x16xf32> to vector<16xf32>
        %parallel_loop3A_158 = vector.shape_cast %parallel_loop3A_152 : vector<16xf32> to vector<1x16xf32>
        tpu.vector_store %arg7[%parallel_loop3A_154, %parallel_loop3A_155], %parallel_loop3A_158 {add = true, strides = array<i32>} : memref<16x1024xf32, #tpu.memory_space<vmem>>, vector<1x16xf32>,
        %parallel_loop3A_159 = arith.constant 4 : i32
        %parallel_loop3A_160 = arith.index_cast %parallel_loop3A_159 : i32 to index
        %parallel_loop3A_161 = arith.index_cast %parallel_loop3A_114 : i32 to index
        %parallel_loop3A_162 = tpu.vector_load %arg8[%parallel_loop3A_160, %parallel_loop3A_161] {strides = array<i32>} : memref<16x1024xf32, #tpu.memory_space<vmem>>, vector<1x16xf32>,
        %parallel_loop3A_163 = vector.shape_cast %parallel_loop3A_162 : vector<1x16xf32> to vector<16xf32>
        %parallel_loop3A_164 = arith.constant 4 : i32
        %parallel_loop3A_165 = arith.index_cast %parallel_loop3A_164 : i32 to index
        %parallel_loop3A_166 = arith.index_cast %parallel_loop3A_114 : i32 to index
        %parallel_loop3A_167 = tpu.vector_load %arg7[%parallel_loop3A_165, %parallel_loop3A_166] {strides = array<i32>} : memref<16x1024xf32, #tpu.memory_space<vmem>>, vector<1x16xf32>,
        %parallel_loop3A_168 = vector.shape_cast %parallel_loop3A_167 : vector<1x16xf32> to vector<16xf32>
        %parallel_loop3A_169 = vector.shape_cast %parallel_loop3A_163 : vector<16xf32> to vector<1x16xf32>
        tpu.vector_store %arg7[%parallel_loop3A_165, %parallel_loop3A_166], %parallel_loop3A_169 {add = true, strides = array<i32>} : memref<16x1024xf32, #tpu.memory_space<vmem>>, vector<1x16xf32>,
        %parallel_loop3A_170 = arith.constant 5 : i32
        %parallel_loop3A_171 = arith.index_cast %parallel_loop3A_170 : i32 to index
        %parallel_loop3A_172 = arith.index_cast %parallel_loop3A_114 : i32 to index
        %parallel_loop3A_173 = tpu.vector_load %arg8[%parallel_loop3A_171, %parallel_loop3A_172] {strides = array<i32>} : memref<16x1024xf32, #tpu.memory_space<vmem>>, vector<1x16xf32>,
        %parallel_loop3A_174 = vector.shape_cast %parallel_loop3A_173 : vector<1x16xf32> to vector<16xf32>
        %parallel_loop3A_175 = arith.constant 5 : i32
        %parallel_loop3A_176 = arith.index_cast %parallel_loop3A_175 : i32 to index
        %parallel_loop3A_177 = arith.index_cast %parallel_loop3A_114 : i32 to index
        %parallel_loop3A_178 = tpu.vector_load %arg7[%parallel_loop3A_176, %parallel_loop3A_177] {strides = array<i32>} : memref<16x1024xf32, #tpu.memory_space<vmem>>, vector<1x16xf32>,
        %parallel_loop3A_179 = vector.shape_cast %parallel_loop3A_178 : vector<1x16xf32> to vector<16xf32>
        %parallel_loop3A_180 = vector.shape_cast %parallel_loop3A_174 : vector<16xf32> to vector<1x16xf32>
        tpu.vector_store %arg7[%parallel_loop3A_176, %parallel_loop3A_177], %parallel_loop3A_180 {add = true, strides = array<i32>} : memref<16x1024xf32, #tpu.memory_space<vmem>>, vector<1x16xf32>,
        %parallel_loop3A_181 = arith.constant 6 : i32
        %parallel_loop3A_182 = arith.index_cast %parallel_loop3A_181 : i32 to index
        %parallel_loop3A_183 = arith.index_cast %parallel_loop3A_114 : i32 to index
        %parallel_loop3A_184 = tpu.vector_load %arg8[%parallel_loop3A_182, %parallel_loop3A_183] {strides = array<i32>} : memref<16x1024xf32, #tpu.memory_space<vmem>>, vector<1x16xf32>,
        %parallel_loop3A_185 = vector.shape_cast %parallel_loop3A_184 : vector<1x16xf32> to vector<16xf32>
        %parallel_loop3A_186 = arith.constant 6 : i32
        %parallel_loop3A_187 = arith.index_cast %parallel_loop3A_186 : i32 to index
        %parallel_loop3A_188 = arith.index_cast %parallel_loop3A_114 : i32 to index
        %parallel_loop3A_189 = tpu.vector_load %arg7[%parallel_loop3A_187, %parallel_loop3A_188] {strides = array<i32>} : memref<16x1024xf32, #tpu.memory_space<vmem>>, vector<1x16xf32>,
        %parallel_loop3A_190 = vector.shape_cast %parallel_loop3A_189 : vector<1x16xf32> to vector<16xf32>
        %parallel_loop3A_191 = vector.shape_cast %parallel_loop3A_185 : vector<16xf32> to vector<1x16xf32>
        tpu.vector_store %arg7[%parallel_loop3A_187, %parallel_loop3A_188], %parallel_loop3A_191 {add = true, strides = array<i32>} : memref<16x1024xf32, #tpu.memory_space<vmem>>, vector<1x16xf32>,
        %parallel_loop3A_192 = arith.constant 7 : i32
        %parallel_loop3A_193 = arith.index_cast %parallel_loop3A_192 : i32 to index
        %parallel_loop3A_194 = arith.index_cast %parallel_loop3A_114 : i32 to index
        %parallel_loop3A_195 = tpu.vector_load %arg8[%parallel_loop3A_193, %parallel_loop3A_194] {strides = array<i32>} : memref<16x1024xf32, #tpu.memory_space<vmem>>, vector<1x16xf32>,
        %parallel_loop3A_196 = vector.shape_cast %parallel_loop3A_195 : vector<1x16xf32> to vector<16xf32>
        %parallel_loop3A_197 = arith.constant 7 : i32
        %parallel_loop3A_198 = arith.index_cast %parallel_loop3A_197 : i32 to index
        %parallel_loop3A_199 = arith.index_cast %parallel_loop3A_114 : i32 to index
        %parallel_loop3A_200 = tpu.vector_load %arg7[%parallel_loop3A_198, %parallel_loop3A_199] {strides = array<i32>} : memref<16x1024xf32, #tpu.memory_space<vmem>>, vector<1x16xf32>,
        %parallel_loop3A_201 = vector.shape_cast %parallel_loop3A_200 : vector<1x16xf32> to vector<16xf32>
        %parallel_loop3A_202 = vector.shape_cast %parallel_loop3A_196 : vector<16xf32> to vector<1x16xf32>
        tpu.vector_store %arg7[%parallel_loop3A_198, %parallel_loop3A_199], %parallel_loop3A_202 {add = true, strides = array<i32>} : memref<16x1024xf32, #tpu.memory_space<vmem>>, vector<1x16xf32>,
        %parallel_loop3A_203 = arith.constant 8 : i32
        %parallel_loop3A_204 = arith.index_cast %parallel_loop3A_203 : i32 to index
        %parallel_loop3A_205 = arith.index_cast %parallel_loop3A_114 : i32 to index
        %parallel_loop3A_206 = tpu.vector_load %arg8[%parallel_loop3A_204, %parallel_loop3A_205] {strides = array<i32>} : memref<16x1024xf32, #tpu.memory_space<vmem>>, vector<1x16xf32>,
        %parallel_loop3A_207 = vector.shape_cast %parallel_loop3A_206 : vector<1x16xf32> to vector<16xf32>
        %parallel_loop3A_208 = arith.constant 8 : i32
        %parallel_loop3A_209 = arith.index_cast %parallel_loop3A_208 : i32 to index
        %parallel_loop3A_210 = arith.index_cast %parallel_loop3A_114 : i32 to index
        %parallel_loop3A_211 = tpu.vector_load %arg7[%parallel_loop3A_209, %parallel_loop3A_210] {strides = array<i32>} : memref<16x1024xf32, #tpu.memory_space<vmem>>, vector<1x16xf32>,
        %parallel_loop3A_212 = vector.shape_cast %parallel_loop3A_211 : vector<1x16xf32> to vector<16xf32>
        %parallel_loop3A_213 = vector.shape_cast %parallel_loop3A_207 : vector<16xf32> to vector<1x16xf32>
        tpu.vector_store %arg7[%parallel_loop3A_209, %parallel_loop3A_210], %parallel_loop3A_213 {add = true, strides = array<i32>} : memref<16x1024xf32, #tpu.memory_space<vmem>>, vector<1x16xf32>,
        %parallel_loop3A_214 = arith.constant 9 : i32
        %parallel_loop3A_215 = arith.index_cast %parallel_loop3A_214 : i32 to index
        %parallel_loop3A_216 = arith.index_cast %parallel_loop3A_114 : i32 to index
        %parallel_loop3A_217 = tpu.vector_load %arg8[%parallel_loop3A_215, %parallel_loop3A_216] {strides = array<i32>} : memref<16x1024xf32, #tpu.memory_space<vmem>>, vector<1x16xf32>,
        %parallel_loop3A_218 = vector.shape_cast %parallel_loop3A_217 : vector<1x16xf32> to vector<16xf32>
        %parallel_loop3A_219 = arith.constant 9 : i32
        %parallel_loop3A_220 = arith.index_cast %parallel_loop3A_219 : i32 to index
        %parallel_loop3A_221 = arith.index_cast %parallel_loop3A_114 : i32 to index
        %parallel_loop3A_222 = tpu.vector_load %arg7[%parallel_loop3A_220, %parallel_loop3A_221] {strides = array<i32>} : memref<16x1024xf32, #tpu.memory_space<vmem>>, vector<1x16xf32>,
        %parallel_loop3A_223 = vector.shape_cast %parallel_loop3A_222 : vector<1x16xf32> to vector<16xf32>
        %parallel_loop3A_224 = vector.shape_cast %parallel_loop3A_218 : vector<16xf32> to vector<1x16xf32>
        tpu.vector_store %arg7[%parallel_loop3A_220, %parallel_loop3A_221], %parallel_loop3A_224 {add = true, strides = array<i32>} : memref<16x1024xf32, #tpu.memory_space<vmem>>, vector<1x16xf32>,
        %parallel_loop3A_225 = arith.constant 10 : i32
        %parallel_loop3A_226 = arith.index_cast %parallel_loop3A_225 : i32 to index
        %parallel_loop3A_227 = arith.index_cast %parallel_loop3A_114 : i32 to index
        %parallel_loop3A_228 = tpu.vector_load %arg8[%parallel_loop3A_226, %parallel_loop3A_227] {strides = array<i32>} : memref<16x1024xf32, #tpu.memory_space<vmem>>, vector<1x16xf32>,
        %parallel_loop3A_229 = vector.shape_cast %parallel_loop3A_228 : vector<1x16xf32> to vector<16xf32>
        %parallel_loop3A_230 = arith.constant 10 : i32
        %parallel_loop3A_231 = arith.index_cast %parallel_loop3A_230 : i32 to index
        %parallel_loop3A_232 = arith.index_cast %parallel_loop3A_114 : i32 to index
        %parallel_loop3A_233 = tpu.vector_load %arg7[%parallel_loop3A_231, %parallel_loop3A_232] {strides = array<i32>} : memref<16x1024xf32, #tpu.memory_space<vmem>>, vector<1x16xf32>,
        %parallel_loop3A_234 = vector.shape_cast %parallel_loop3A_233 : vector<1x16xf32> to vector<16xf32>
        %parallel_loop3A_235 = vector.shape_cast %parallel_loop3A_229 : vector<16xf32> to vector<1x16xf32>
        tpu.vector_store %arg7[%parallel_loop3A_231, %parallel_loop3A_232], %parallel_loop3A_235 {add = true, strides = array<i32>} : memref<16x1024xf32, #tpu.memory_space<vmem>>, vector<1x16xf32>,
        %parallel_loop3A_236 = arith.constant 11 : i32
        %parallel_loop3A_237 = arith.index_cast %parallel_loop3A_236 : i32 to index
        %parallel_loop3A_238 = arith.index_cast %parallel_loop3A_114 : i32 to index
        %parallel_loop3A_239 = tpu.vector_load %arg8[%parallel_loop3A_237, %parallel_loop3A_238] {strides = array<i32>} : memref<16x1024xf32, #tpu.memory_space<vmem>>, vector<1x16xf32>,
        %parallel_loop3A_240 = vector.shape_cast %parallel_loop3A_239 : vector<1x16xf32> to vector<16xf32>
        %parallel_loop3A_241 = arith.constant 11 : i32
        %parallel_loop3A_242 = arith.index_cast %parallel_loop3A_241 : i32 to index
        %parallel_loop3A_243 = arith.index_cast %parallel_loop3A_114 : i32 to index
        %parallel_loop3A_244 = tpu.vector_load %arg7[%parallel_loop3A_242, %parallel_loop3A_243] {strides = array<i32>} : memref<16x1024xf32, #tpu.memory_space<vmem>>, vector<1x16xf32>,
        %parallel_loop3A_245 = vector.shape_cast %parallel_loop3A_244 : vector<1x16xf32> to vector<16xf32>
        %parallel_loop3A_246 = vector.shape_cast %parallel_loop3A_240 : vector<16xf32> to vector<1x16xf32>
        tpu.vector_store %arg7[%parallel_loop3A_242, %parallel_loop3A_243], %parallel_loop3A_246 {add = true, strides = array<i32>} : memref<16x1024xf32, #tpu.memory_space<vmem>>, vector<1x16xf32>,
        %parallel_loop3A_247 = arith.constant 12 : i32
        %parallel_loop3A_248 = arith.index_cast %parallel_loop3A_247 : i32 to index
        %parallel_loop3A_249 = arith.index_cast %parallel_loop3A_114 : i32 to index
        %parallel_loop3A_250 = tpu.vector_load %arg8[%parallel_loop3A_248, %parallel_loop3A_249] {strides = array<i32>} : memref<16x1024xf32, #tpu.memory_space<vmem>>, vector<1x16xf32>,
        %parallel_loop3A_251 = vector.shape_cast %parallel_loop3A_250 : vector<1x16xf32> to vector<16xf32>
        %parallel_loop3A_252 = arith.constant 12 : i32
        %parallel_loop3A_253 = arith.index_cast %parallel_loop3A_252 : i32 to index
        %parallel_loop3A_254 = arith.index_cast %parallel_loop3A_114 : i32 to index
        %parallel_loop3A_255 = tpu.vector_load %arg7[%parallel_loop3A_253, %parallel_loop3A_254] {strides = array<i32>} : memref<16x1024xf32, #tpu.memory_space<vmem>>, vector<1x16xf32>,
        %parallel_loop3A_256 = vector.shape_cast %parallel_loop3A_255 : vector<1x16xf32> to vector<16xf32>
        %parallel_loop3A_257 = vector.shape_cast %parallel_loop3A_251 : vector<16xf32> to vector<1x16xf32>
        tpu.vector_store %arg7[%parallel_loop3A_253, %parallel_loop3A_254], %parallel_loop3A_257 {add = true, strides = array<i32>} : memref<16x1024xf32, #tpu.memory_space<vmem>>, vector<1x16xf32>,
        %parallel_loop3A_258 = arith.constant 13 : i32
        %parallel_loop3A_259 = arith.index_cast %parallel_loop3A_258 : i32 to index
        %parallel_loop3A_260 = arith.index_cast %parallel_loop3A_114 : i32 to index
        %parallel_loop3A_261 = tpu.vector_load %arg8[%parallel_loop3A_259, %parallel_loop3A_260] {strides = array<i32>} : memref<16x1024xf32, #tpu.memory_space<vmem>>, vector<1x16xf32>,
        %parallel_loop3A_262 = vector.shape_cast %parallel_loop3A_261 : vector<1x16xf32> to vector<16xf32>
        %parallel_loop3A_263 = arith.constant 13 : i32
        %parallel_loop3A_264 = arith.index_cast %parallel_loop3A_263 : i32 to index
        %parallel_loop3A_265 = arith.index_cast %parallel_loop3A_114 : i32 to index
        %parallel_loop3A_266 = tpu.vector_load %arg7[%parallel_loop3A_264, %parallel_loop3A_265] {strides = array<i32>} : memref<16x1024xf32, #tpu.memory_space<vmem>>, vector<1x16xf32>,
        %parallel_loop3A_267 = vector.shape_cast %parallel_loop3A_266 : vector<1x16xf32> to vector<16xf32>
        %parallel_loop3A_268 = vector.shape_cast %parallel_loop3A_262 : vector<16xf32> to vector<1x16xf32>
        tpu.vector_store %arg7[%parallel_loop3A_264, %parallel_loop3A_265], %parallel_loop3A_268 {add = true, strides = array<i32>} : memref<16x1024xf32, #tpu.memory_space<vmem>>, vector<1x16xf32>,
        %parallel_loop3A_269 = arith.constant 14 : i32
        %parallel_loop3A_270 = arith.index_cast %parallel_loop3A_269 : i32 to index
        %parallel_loop3A_271 = arith.index_cast %parallel_loop3A_114 : i32 to index
        %parallel_loop3A_272 = tpu.vector_load %arg8[%parallel_loop3A_270, %parallel_loop3A_271] {strides = array<i32>} : memref<16x1024xf32, #tpu.memory_space<vmem>>, vector<1x16xf32>,
        %parallel_loop3A_273 = vector.shape_cast %parallel_loop3A_272 : vector<1x16xf32> to vector<16xf32>
        %parallel_loop3A_274 = arith.constant 14 : i32
        %parallel_loop3A_275 = arith.index_cast %parallel_loop3A_274 : i32 to index
        %parallel_loop3A_276 = arith.index_cast %parallel_loop3A_114 : i32 to index
        %parallel_loop3A_277 = tpu.vector_load %arg7[%parallel_loop3A_275, %parallel_loop3A_276] {strides = array<i32>} : memref<16x1024xf32, #tpu.memory_space<vmem>>, vector<1x16xf32>,
        %parallel_loop3A_278 = vector.shape_cast %parallel_loop3A_277 : vector<1x16xf32> to vector<16xf32>
        %parallel_loop3A_279 = vector.shape_cast %parallel_loop3A_273 : vector<16xf32> to vector<1x16xf32>
        tpu.vector_store %arg7[%parallel_loop3A_275, %parallel_loop3A_276], %parallel_loop3A_279 {add = true, strides = array<i32>} : memref<16x1024xf32, #tpu.memory_space<vmem>>, vector<1x16xf32>,
        %parallel_loop3A_280 = arith.constant 15 : i32
        %parallel_loop3A_281 = arith.index_cast %parallel_loop3A_280 : i32 to index
        %parallel_loop3A_282 = arith.index_cast %parallel_loop3A_114 : i32 to index
        %parallel_loop3A_283 = tpu.vector_load %arg8[%parallel_loop3A_281, %parallel_loop3A_282] {strides = array<i32>} : memref<16x1024xf32, #tpu.memory_space<vmem>>, vector<1x16xf32>,
        %parallel_loop3A_284 = vector.shape_cast %parallel_loop3A_283 : vector<1x16xf32> to vector<16xf32>
        %parallel_loop3A_285 = arith.constant 15 : i32
        %parallel_loop3A_286 = arith.index_cast %parallel_loop3A_285 : i32 to index
        %parallel_loop3A_287 = arith.index_cast %parallel_loop3A_114 : i32 to index
        %parallel_loop3A_288 = tpu.vector_load %arg7[%parallel_loop3A_286, %parallel_loop3A_287] {strides = array<i32>} : memref<16x1024xf32, #tpu.memory_space<vmem>>, vector<1x16xf32>,
        %parallel_loop3A_289 = vector.shape_cast %parallel_loop3A_288 : vector<1x16xf32> to vector<16xf32>
        %parallel_loop3A_290 = vector.shape_cast %parallel_loop3A_284 : vector<16xf32> to vector<1x16xf32>
        tpu.vector_store %arg7[%parallel_loop3A_286, %parallel_loop3A_287], %parallel_loop3A_290 {add = true, strides = array<i32>} : memref<16x1024xf32, #tpu.memory_space<vmem>>, vector<1x16xf32>,
      } {sc.loop_unroll_factor = 2 : i64, sc.parallel_access}
      %add3A_81 = arith.constant 16384 : i32
      %add3A_82 = arith.addi %add3A_81, %add3A_14 : i32
      %dma_start3A_83 = arith.constant 0 : i32
      %dma_start3A_84 = tpu.memref_slice %arg4[%add3A_82, %dma_start3A_83] : memref<32768x1024xf32, #tpu.memory_space<hbm>> -> memref<16x1024xf32, #tpu.memory_space<hbm>>
      %dma_start3A_85 = arith.constant 0 : i32
      %dma_start3A_86 = tpu.memref_slice %arg4[%add3A_82, %dma_start3A_85] : memref<32768x1024xf32, #tpu.memory_space<hbm>> -> memref<16x1024xf32, #tpu.memory_space<hbm>>
      tpu.enqueue_dma source(%arg7 : memref<16x1024xf32, #tpu.memory_space<vmem>>) target(%dma_start3A_86 : memref<16x1024xf32, #tpu.memory_space<hbm>>) target_semaphore(%arg14 : memref<!tpu.dma_semaphore, #tpu.memory_space<semaphore_mem>>)
      %dma_wait3A_87 = arith.constant 0 : i32
      %dma_wait3A_88 = tpu.memref_slice %arg2[%add3A_69, %dma_wait3A_87] : memref<32768x1024xf32, #tpu.memory_space<hbm>> -> memref<16x1024xf32, #tpu.memory_space<hbm>>
      %dma_wait3A_89 = arith.constant 0 : i32
      %dma_wait3A_90 = tpu.memref_slice %arg2[%add3A_69, %dma_wait3A_89] : memref<32768x1024xf32, #tpu.memory_space<hbm>> -> memref<16x1024xf32, #tpu.memory_space<hbm>>
      tpu.wait_dma2 semaphore(%arg9 : memref<!tpu.dma_semaphore, #tpu.memory_space<semaphore_mem>>) src(%dma_wait3A_90 : memref<16x1024xf32, #tpu.memory_space<hbm>>) dst(%arg5 : memref<16x1024xf32, #tpu.memory_space<vmem>>)
      %parallel_loop3A_91 = arith.constant 0 : i32
      %parallel_loop3A_92 = arith.constant 64 : i32
      %parallel_loop3A_93 = arith.constant 1 : i32
      scf.for %parallel_loop3A_112 = %parallel_loop3A_91 to %parallel_loop3A_92 step %parallel_loop3A_93  : i32 {
        %parallel_loop3A_113 = arith.constant 16 : i32
        %parallel_loop3A_114 = arith.muli %parallel_loop3A_112, %parallel_loop3A_113 : i32
        %parallel_loop3A_115 = arith.constant 0 : i32
        %parallel_loop3A_116 = arith.index_cast %parallel_loop3A_115 : i32 to index
        %parallel_loop3A_117 = arith.index_cast %parallel_loop3A_114 : i32 to index
        %parallel_loop3A_118 = tpu.vector_load %arg8[%parallel_loop3A_116, %parallel_loop3A_117] {strides = array<i32>} : memref<16x1024xf32, #tpu.memory_space<vmem>>, vector<1x16xf32>,
        %parallel_loop3A_119 = vector.shape_cast %parallel_loop3A_118 : vector<1x16xf32> to vector<16xf32>
        %parallel_loop3A_120 = arith.constant 0 : i32
        %parallel_loop3A_121 = arith.index_cast %parallel_loop3A_120 : i32 to index
        %parallel_loop3A_122 = arith.index_cast %parallel_loop3A_114 : i32 to index
        %parallel_loop3A_123 = tpu.vector_load %arg5[%parallel_loop3A_121, %parallel_loop3A_122] {strides = array<i32>} : memref<16x1024xf32, #tpu.memory_space<vmem>>, vector<1x16xf32>,
        %parallel_loop3A_124 = vector.shape_cast %parallel_loop3A_123 : vector<1x16xf32> to vector<16xf32>
        %parallel_loop3A_125 = vector.shape_cast %parallel_loop3A_119 : vector<16xf32> to vector<1x16xf32>
        tpu.vector_store %arg5[%parallel_loop3A_121, %parallel_loop3A_122], %parallel_loop3A_125 {add = true, strides = array<i32>} : memref<16x1024xf32, #tpu.memory_space<vmem>>, vector<1x16xf32>,
        %parallel_loop3A_126 = arith.constant 1 : i32
        %parallel_loop3A_127 = arith.index_cast %parallel_loop3A_126 : i32 to index
        %parallel_loop3A_128 = arith.index_cast %parallel_loop3A_114 : i32 to index
        %parallel_loop3A_129 = tpu.vector_load %arg8[%parallel_loop3A_127, %parallel_loop3A_128] {strides = array<i32>} : memref<16x1024xf32, #tpu.memory_space<vmem>>, vector<1x16xf32>,
        %parallel_loop3A_130 = vector.shape_cast %parallel_loop3A_129 : vector<1x16xf32> to vector<16xf32>
        %parallel_loop3A_131 = arith.constant 1 : i32
        %parallel_loop3A_132 = arith.index_cast %parallel_loop3A_131 : i32 to index
        %parallel_loop3A_133 = arith.index_cast %parallel_loop3A_114 : i32 to index
        %parallel_loop3A_134 = tpu.vector_load %arg5[%parallel_loop3A_132, %parallel_loop3A_133] {strides = array<i32>} : memref<16x1024xf32, #tpu.memory_space<vmem>>, vector<1x16xf32>,
        %parallel_loop3A_135 = vector.shape_cast %parallel_loop3A_134 : vector<1x16xf32> to vector<16xf32>
        %parallel_loop3A_136 = vector.shape_cast %parallel_loop3A_130 : vector<16xf32> to vector<1x16xf32>
        tpu.vector_store %arg5[%parallel_loop3A_132, %parallel_loop3A_133], %parallel_loop3A_136 {add = true, strides = array<i32>} : memref<16x1024xf32, #tpu.memory_space<vmem>>, vector<1x16xf32>,
        %parallel_loop3A_137 = arith.constant 2 : i32
        %parallel_loop3A_138 = arith.index_cast %parallel_loop3A_137 : i32 to index
        %parallel_loop3A_139 = arith.index_cast %parallel_loop3A_114 : i32 to index
        %parallel_loop3A_140 = tpu.vector_load %arg8[%parallel_loop3A_138, %parallel_loop3A_139] {strides = array<i32>} : memref<16x1024xf32, #tpu.memory_space<vmem>>, vector<1x16xf32>,
        %parallel_loop3A_141 = vector.shape_cast %parallel_loop3A_140 : vector<1x16xf32> to vector<16xf32>
        %parallel_loop3A_142 = arith.constant 2 : i32
        %parallel_loop3A_143 = arith.index_cast %parallel_loop3A_142 : i32 to index
        %parallel_loop3A_144 = arith.index_cast %parallel_loop3A_114 : i32 to index
        %parallel_loop3A_145 = tpu.vector_load %arg5[%parallel_loop3A_143, %parallel_loop3A_144] {strides = array<i32>} : memref<16x1024xf32, #tpu.memory_space<vmem>>, vector<1x16xf32>,
        %parallel_loop3A_146 = vector.shape_cast %parallel_loop3A_145 : vector<1x16xf32> to vector<16xf32>
        %parallel_loop3A_147 = vector.shape_cast %parallel_loop3A_141 : vector<16xf32> to vector<1x16xf32>
        tpu.vector_store %arg5[%parallel_loop3A_143, %parallel_loop3A_144], %parallel_loop3A_147 {add = true, strides = array<i32>} : memref<16x1024xf32, #tpu.memory_space<vmem>>, vector<1x16xf32>,
        %parallel_loop3A_148 = arith.constant 3 : i32
        %parallel_loop3A_149 = arith.index_cast %parallel_loop3A_148 : i32 to index
        %parallel_loop3A_150 = arith.index_cast %parallel_loop3A_114 : i32 to index
        %parallel_loop3A_151 = tpu.vector_load %arg8[%parallel_loop3A_149, %parallel_loop3A_150] {strides = array<i32>} : memref<16x1024xf32, #tpu.memory_space<vmem>>, vector<1x16xf32>,
        %parallel_loop3A_152 = vector.shape_cast %parallel_loop3A_151 : vector<1x16xf32> to vector<16xf32>
        %parallel_loop3A_153 = arith.constant 3 : i32
        %parallel_loop3A_154 = arith.index_cast %parallel_loop3A_153 : i32 to index
        %parallel_loop3A_155 = arith.index_cast %parallel_loop3A_114 : i32 to index
        %parallel_loop3A_156 = tpu.vector_load %arg5[%parallel_loop3A_154, %parallel_loop3A_155] {strides = array<i32>} : memref<16x1024xf32, #tpu.memory_space<vmem>>, vector<1x16xf32>,
        %parallel_loop3A_157 = vector.shape_cast %parallel_loop3A_156 : vector<1x16xf32> to vector<16xf32>
        %parallel_loop3A_158 = vector.shape_cast %parallel_loop3A_152 : vector<16xf32> to vector<1x16xf32>
        tpu.vector_store %arg5[%parallel_loop3A_154, %parallel_loop3A_155], %parallel_loop3A_158 {add = true, strides = array<i32>} : memref<16x1024xf32, #tpu.memory_space<vmem>>, vector<1x16xf32>,
        %parallel_loop3A_159 = arith.constant 4 : i32
        %parallel_loop3A_160 = arith.index_cast %parallel_loop3A_159 : i32 to index
        %parallel_loop3A_161 = arith.index_cast %parallel_loop3A_114 : i32 to index
        %parallel_loop3A_162 = tpu.vector_load %arg8[%parallel_loop3A_160, %parallel_loop3A_161] {strides = array<i32>} : memref<16x1024xf32, #tpu.memory_space<vmem>>, vector<1x16xf32>,
        %parallel_loop3A_163 = vector.shape_cast %parallel_loop3A_162 : vector<1x16xf32> to vector<16xf32>
        %parallel_loop3A_164 = arith.constant 4 : i32
        %parallel_loop3A_165 = arith.index_cast %parallel_loop3A_164 : i32 to index
        %parallel_loop3A_166 = arith.index_cast %parallel_loop3A_114 : i32 to index
        %parallel_loop3A_167 = tpu.vector_load %arg5[%parallel_loop3A_165, %parallel_loop3A_166] {strides = array<i32>} : memref<16x1024xf32, #tpu.memory_space<vmem>>, vector<1x16xf32>,
        %parallel_loop3A_168 = vector.shape_cast %parallel_loop3A_167 : vector<1x16xf32> to vector<16xf32>
        %parallel_loop3A_169 = vector.shape_cast %parallel_loop3A_163 : vector<16xf32> to vector<1x16xf32>
        tpu.vector_store %arg5[%parallel_loop3A_165, %parallel_loop3A_166], %parallel_loop3A_169 {add = true, strides = array<i32>} : memref<16x1024xf32, #tpu.memory_space<vmem>>, vector<1x16xf32>,
        %parallel_loop3A_170 = arith.constant 5 : i32
        %parallel_loop3A_171 = arith.index_cast %parallel_loop3A_170 : i32 to index
        %parallel_loop3A_172 = arith.index_cast %parallel_loop3A_114 : i32 to index
        %parallel_loop3A_173 = tpu.vector_load %arg8[%parallel_loop3A_171, %parallel_loop3A_172] {strides = array<i32>} : memref<16x1024xf32, #tpu.memory_space<vmem>>, vector<1x16xf32>,
        %parallel_loop3A_174 = vector.shape_cast %parallel_loop3A_173 : vector<1x16xf32> to vector<16xf32>
        %parallel_loop3A_175 = arith.constant 5 : i32
        %parallel_loop3A_176 = arith.index_cast %parallel_loop3A_175 : i32 to index
        %parallel_loop3A_177 = arith.index_cast %parallel_loop3A_114 : i32 to index
        %parallel_loop3A_178 = tpu.vector_load %arg5[%parallel_loop3A_176, %parallel_loop3A_177] {strides = array<i32>} : memref<16x1024xf32, #tpu.memory_space<vmem>>, vector<1x16xf32>,
        %parallel_loop3A_179 = vector.shape_cast %parallel_loop3A_178 : vector<1x16xf32> to vector<16xf32>
        %parallel_loop3A_180 = vector.shape_cast %parallel_loop3A_174 : vector<16xf32> to vector<1x16xf32>
        tpu.vector_store %arg5[%parallel_loop3A_176, %parallel_loop3A_177], %parallel_loop3A_180 {add = true, strides = array<i32>} : memref<16x1024xf32, #tpu.memory_space<vmem>>, vector<1x16xf32>,
        %parallel_loop3A_181 = arith.constant 6 : i32
        %parallel_loop3A_182 = arith.index_cast %parallel_loop3A_181 : i32 to index
        %parallel_loop3A_183 = arith.index_cast %parallel_loop3A_114 : i32 to index
        %parallel_loop3A_184 = tpu.vector_load %arg8[%parallel_loop3A_182, %parallel_loop3A_183] {strides = array<i32>} : memref<16x1024xf32, #tpu.memory_space<vmem>>, vector<1x16xf32>,
        %parallel_loop3A_185 = vector.shape_cast %parallel_loop3A_184 : vector<1x16xf32> to vector<16xf32>
        %parallel_loop3A_186 = arith.constant 6 : i32
        %parallel_loop3A_187 = arith.index_cast %parallel_loop3A_186 : i32 to index
        %parallel_loop3A_188 = arith.index_cast %parallel_loop3A_114 : i32 to index
        %parallel_loop3A_189 = tpu.vector_load %arg5[%parallel_loop3A_187, %parallel_loop3A_188] {strides = array<i32>} : memref<16x1024xf32, #tpu.memory_space<vmem>>, vector<1x16xf32>,
        %parallel_loop3A_190 = vector.shape_cast %parallel_loop3A_189 : vector<1x16xf32> to vector<16xf32>
        %parallel_loop3A_191 = vector.shape_cast %parallel_loop3A_185 : vector<16xf32> to vector<1x16xf32>
        tpu.vector_store %arg5[%parallel_loop3A_187, %parallel_loop3A_188], %parallel_loop3A_191 {add = true, strides = array<i32>} : memref<16x1024xf32, #tpu.memory_space<vmem>>, vector<1x16xf32>,
        %parallel_loop3A_192 = arith.constant 7 : i32
        %parallel_loop3A_193 = arith.index_cast %parallel_loop3A_192 : i32 to index
        %parallel_loop3A_194 = arith.index_cast %parallel_loop3A_114 : i32 to index
        %parallel_loop3A_195 = tpu.vector_load %arg8[%parallel_loop3A_193, %parallel_loop3A_194] {strides = array<i32>} : memref<16x1024xf32, #tpu.memory_space<vmem>>, vector<1x16xf32>,
        %parallel_loop3A_196 = vector.shape_cast %parallel_loop3A_195 : vector<1x16xf32> to vector<16xf32>
        %parallel_loop3A_197 = arith.constant 7 : i32
        %parallel_loop3A_198 = arith.index_cast %parallel_loop3A_197 : i32 to index
        %parallel_loop3A_199 = arith.index_cast %parallel_loop3A_114 : i32 to index
        %parallel_loop3A_200 = tpu.vector_load %arg5[%parallel_loop3A_198, %parallel_loop3A_199] {strides = array<i32>} : memref<16x1024xf32, #tpu.memory_space<vmem>>, vector<1x16xf32>,
        %parallel_loop3A_201 = vector.shape_cast %parallel_loop3A_200 : vector<1x16xf32> to vector<16xf32>
        %parallel_loop3A_202 = vector.shape_cast %parallel_loop3A_196 : vector<16xf32> to vector<1x16xf32>
        tpu.vector_store %arg5[%parallel_loop3A_198, %parallel_loop3A_199], %parallel_loop3A_202 {add = true, strides = array<i32>} : memref<16x1024xf32, #tpu.memory_space<vmem>>, vector<1x16xf32>,
        %parallel_loop3A_203 = arith.constant 8 : i32
        %parallel_loop3A_204 = arith.index_cast %parallel_loop3A_203 : i32 to index
        %parallel_loop3A_205 = arith.index_cast %parallel_loop3A_114 : i32 to index
        %parallel_loop3A_206 = tpu.vector_load %arg8[%parallel_loop3A_204, %parallel_loop3A_205] {strides = array<i32>} : memref<16x1024xf32, #tpu.memory_space<vmem>>, vector<1x16xf32>,
        %parallel_loop3A_207 = vector.shape_cast %parallel_loop3A_206 : vector<1x16xf32> to vector<16xf32>
        %parallel_loop3A_208 = arith.constant 8 : i32
        %parallel_loop3A_209 = arith.index_cast %parallel_loop3A_208 : i32 to index
        %parallel_loop3A_210 = arith.index_cast %parallel_loop3A_114 : i32 to index
        %parallel_loop3A_211 = tpu.vector_load %arg5[%parallel_loop3A_209, %parallel_loop3A_210] {strides = array<i32>} : memref<16x1024xf32, #tpu.memory_space<vmem>>, vector<1x16xf32>,
        %parallel_loop3A_212 = vector.shape_cast %parallel_loop3A_211 : vector<1x16xf32> to vector<16xf32>
        %parallel_loop3A_213 = vector.shape_cast %parallel_loop3A_207 : vector<16xf32> to vector<1x16xf32>
        tpu.vector_store %arg5[%parallel_loop3A_209, %parallel_loop3A_210], %parallel_loop3A_213 {add = true, strides = array<i32>} : memref<16x1024xf32, #tpu.memory_space<vmem>>, vector<1x16xf32>,
        %parallel_loop3A_214 = arith.constant 9 : i32
        %parallel_loop3A_215 = arith.index_cast %parallel_loop3A_214 : i32 to index
        %parallel_loop3A_216 = arith.index_cast %parallel_loop3A_114 : i32 to index
        %parallel_loop3A_217 = tpu.vector_load %arg8[%parallel_loop3A_215, %parallel_loop3A_216] {strides = array<i32>} : memref<16x1024xf32, #tpu.memory_space<vmem>>, vector<1x16xf32>,
        %parallel_loop3A_218 = vector.shape_cast %parallel_loop3A_217 : vector<1x16xf32> to vector<16xf32>
        %parallel_loop3A_219 = arith.constant 9 : i32
        %parallel_loop3A_220 = arith.index_cast %parallel_loop3A_219 : i32 to index
        %parallel_loop3A_221 = arith.index_cast %parallel_loop3A_114 : i32 to index
        %parallel_loop3A_222 = tpu.vector_load %arg5[%parallel_loop3A_220, %parallel_loop3A_221] {strides = array<i32>} : memref<16x1024xf32, #tpu.memory_space<vmem>>, vector<1x16xf32>,
        %parallel_loop3A_223 = vector.shape_cast %parallel_loop3A_222 : vector<1x16xf32> to vector<16xf32>
        %parallel_loop3A_224 = vector.shape_cast %parallel_loop3A_218 : vector<16xf32> to vector<1x16xf32>
        tpu.vector_store %arg5[%parallel_loop3A_220, %parallel_loop3A_221], %parallel_loop3A_224 {add = true, strides = array<i32>} : memref<16x1024xf32, #tpu.memory_space<vmem>>, vector<1x16xf32>,
        %parallel_loop3A_225 = arith.constant 10 : i32
        %parallel_loop3A_226 = arith.index_cast %parallel_loop3A_225 : i32 to index
        %parallel_loop3A_227 = arith.index_cast %parallel_loop3A_114 : i32 to index
        %parallel_loop3A_228 = tpu.vector_load %arg8[%parallel_loop3A_226, %parallel_loop3A_227] {strides = array<i32>} : memref<16x1024xf32, #tpu.memory_space<vmem>>, vector<1x16xf32>,
        %parallel_loop3A_229 = vector.shape_cast %parallel_loop3A_228 : vector<1x16xf32> to vector<16xf32>
        %parallel_loop3A_230 = arith.constant 10 : i32
        %parallel_loop3A_231 = arith.index_cast %parallel_loop3A_230 : i32 to index
        %parallel_loop3A_232 = arith.index_cast %parallel_loop3A_114 : i32 to index
        %parallel_loop3A_233 = tpu.vector_load %arg5[%parallel_loop3A_231, %parallel_loop3A_232] {strides = array<i32>} : memref<16x1024xf32, #tpu.memory_space<vmem>>, vector<1x16xf32>,
        %parallel_loop3A_234 = vector.shape_cast %parallel_loop3A_233 : vector<1x16xf32> to vector<16xf32>
        %parallel_loop3A_235 = vector.shape_cast %parallel_loop3A_229 : vector<16xf32> to vector<1x16xf32>
        tpu.vector_store %arg5[%parallel_loop3A_231, %parallel_loop3A_232], %parallel_loop3A_235 {add = true, strides = array<i32>} : memref<16x1024xf32, #tpu.memory_space<vmem>>, vector<1x16xf32>,
        %parallel_loop3A_236 = arith.constant 11 : i32
        %parallel_loop3A_237 = arith.index_cast %parallel_loop3A_236 : i32 to index
        %parallel_loop3A_238 = arith.index_cast %parallel_loop3A_114 : i32 to index
        %parallel_loop3A_239 = tpu.vector_load %arg8[%parallel_loop3A_237, %parallel_loop3A_238] {strides = array<i32>} : memref<16x1024xf32, #tpu.memory_space<vmem>>, vector<1x16xf32>,
        %parallel_loop3A_240 = vector.shape_cast %parallel_loop3A_239 : vector<1x16xf32> to vector<16xf32>
        %parallel_loop3A_241 = arith.constant 11 : i32
        %parallel_loop3A_242 = arith.index_cast %parallel_loop3A_241 : i32 to index
        %parallel_loop3A_243 = arith.index_cast %parallel_loop3A_114 : i32 to index
        %parallel_loop3A_244 = tpu.vector_load %arg5[%parallel_loop3A_242, %parallel_loop3A_243] {strides = array<i32>} : memref<16x1024xf32, #tpu.memory_space<vmem>>, vector<1x16xf32>,
        %parallel_loop3A_245 = vector.shape_cast %parallel_loop3A_244 : vector<1x16xf32> to vector<16xf32>
        %parallel_loop3A_246 = vector.shape_cast %parallel_loop3A_240 : vector<16xf32> to vector<1x16xf32>
        tpu.vector_store %arg5[%parallel_loop3A_242, %parallel_loop3A_243], %parallel_loop3A_246 {add = true, strides = array<i32>} : memref<16x1024xf32, #tpu.memory_space<vmem>>, vector<1x16xf32>,
        %parallel_loop3A_247 = arith.constant 12 : i32
        %parallel_loop3A_248 = arith.index_cast %parallel_loop3A_247 : i32 to index
        %parallel_loop3A_249 = arith.index_cast %parallel_loop3A_114 : i32 to index
        %parallel_loop3A_250 = tpu.vector_load %arg8[%parallel_loop3A_248, %parallel_loop3A_249] {strides = array<i32>} : memref<16x1024xf32, #tpu.memory_space<vmem>>, vector<1x16xf32>,
        %parallel_loop3A_251 = vector.shape_cast %parallel_loop3A_250 : vector<1x16xf32> to vector<16xf32>
        %parallel_loop3A_252 = arith.constant 12 : i32
        %parallel_loop3A_253 = arith.index_cast %parallel_loop3A_252 : i32 to index
        %parallel_loop3A_254 = arith.index_cast %parallel_loop3A_114 : i32 to index
        %parallel_loop3A_255 = tpu.vector_load %arg5[%parallel_loop3A_253, %parallel_loop3A_254] {strides = array<i32>} : memref<16x1024xf32, #tpu.memory_space<vmem>>, vector<1x16xf32>,
        %parallel_loop3A_256 = vector.shape_cast %parallel_loop3A_255 : vector<1x16xf32> to vector<16xf32>
        %parallel_loop3A_257 = vector.shape_cast %parallel_loop3A_251 : vector<16xf32> to vector<1x16xf32>
        tpu.vector_store %arg5[%parallel_loop3A_253, %parallel_loop3A_254], %parallel_loop3A_257 {add = true, strides = array<i32>} : memref<16x1024xf32, #tpu.memory_space<vmem>>, vector<1x16xf32>,
        %parallel_loop3A_258 = arith.constant 13 : i32
        %parallel_loop3A_259 = arith.index_cast %parallel_loop3A_258 : i32 to index
        %parallel_loop3A_260 = arith.index_cast %parallel_loop3A_114 : i32 to index
        %parallel_loop3A_261 = tpu.vector_load %arg8[%parallel_loop3A_259, %parallel_loop3A_260] {strides = array<i32>} : memref<16x1024xf32, #tpu.memory_space<vmem>>, vector<1x16xf32>,
        %parallel_loop3A_262 = vector.shape_cast %parallel_loop3A_261 : vector<1x16xf32> to vector<16xf32>
        %parallel_loop3A_263 = arith.constant 13 : i32
        %parallel_loop3A_264 = arith.index_cast %parallel_loop3A_263 : i32 to index
        %parallel_loop3A_265 = arith.index_cast %parallel_loop3A_114 : i32 to index
        %parallel_loop3A_266 = tpu.vector_load %arg5[%parallel_loop3A_264, %parallel_loop3A_265] {strides = array<i32>} : memref<16x1024xf32, #tpu.memory_space<vmem>>, vector<1x16xf32>,
        %parallel_loop3A_267 = vector.shape_cast %parallel_loop3A_266 : vector<1x16xf32> to vector<16xf32>
        %parallel_loop3A_268 = vector.shape_cast %parallel_loop3A_262 : vector<16xf32> to vector<1x16xf32>
        tpu.vector_store %arg5[%parallel_loop3A_264, %parallel_loop3A_265], %parallel_loop3A_268 {add = true, strides = array<i32>} : memref<16x1024xf32, #tpu.memory_space<vmem>>, vector<1x16xf32>,
        %parallel_loop3A_269 = arith.constant 14 : i32
        %parallel_loop3A_270 = arith.index_cast %parallel_loop3A_269 : i32 to index
        %parallel_loop3A_271 = arith.index_cast %parallel_loop3A_114 : i32 to index
        %parallel_loop3A_272 = tpu.vector_load %arg8[%parallel_loop3A_270, %parallel_loop3A_271] {strides = array<i32>} : memref<16x1024xf32, #tpu.memory_space<vmem>>, vector<1x16xf32>,
        %parallel_loop3A_273 = vector.shape_cast %parallel_loop3A_272 : vector<1x16xf32> to vector<16xf32>
        %parallel_loop3A_274 = arith.constant 14 : i32
        %parallel_loop3A_275 = arith.index_cast %parallel_loop3A_274 : i32 to index
        %parallel_loop3A_276 = arith.index_cast %parallel_loop3A_114 : i32 to index
        %parallel_loop3A_277 = tpu.vector_load %arg5[%parallel_loop3A_275, %parallel_loop3A_276] {strides = array<i32>} : memref<16x1024xf32, #tpu.memory_space<vmem>>, vector<1x16xf32>,
        %parallel_loop3A_278 = vector.shape_cast %parallel_loop3A_277 : vector<1x16xf32> to vector<16xf32>
        %parallel_loop3A_279 = vector.shape_cast %parallel_loop3A_273 : vector<16xf32> to vector<1x16xf32>
        tpu.vector_store %arg5[%parallel_loop3A_275, %parallel_loop3A_276], %parallel_loop3A_279 {add = true, strides = array<i32>} : memref<16x1024xf32, #tpu.memory_space<vmem>>, vector<1x16xf32>,
        %parallel_loop3A_280 = arith.constant 15 : i32
        %parallel_loop3A_281 = arith.index_cast %parallel_loop3A_280 : i32 to index
        %parallel_loop3A_282 = arith.index_cast %parallel_loop3A_114 : i32 to index
        %parallel_loop3A_283 = tpu.vector_load %arg8[%parallel_loop3A_281, %parallel_loop3A_282] {strides = array<i32>} : memref<16x1024xf32, #tpu.memory_space<vmem>>, vector<1x16xf32>,
        %parallel_loop3A_284 = vector.shape_cast %parallel_loop3A_283 : vector<1x16xf32> to vector<16xf32>
        %parallel_loop3A_285 = arith.constant 15 : i32
        %parallel_loop3A_286 = arith.index_cast %parallel_loop3A_285 : i32 to index
        %parallel_loop3A_287 = arith.index_cast %parallel_loop3A_114 : i32 to index
        %parallel_loop3A_288 = tpu.vector_load %arg5[%parallel_loop3A_286, %parallel_loop3A_287] {strides = array<i32>} : memref<16x1024xf32, #tpu.memory_space<vmem>>, vector<1x16xf32>,
        %parallel_loop3A_289 = vector.shape_cast %parallel_loop3A_288 : vector<1x16xf32> to vector<16xf32>
        %parallel_loop3A_290 = vector.shape_cast %parallel_loop3A_284 : vector<16xf32> to vector<1x16xf32>
        tpu.vector_store %arg5[%parallel_loop3A_286, %parallel_loop3A_287], %parallel_loop3A_290 {add = true, strides = array<i32>} : memref<16x1024xf32, #tpu.memory_space<vmem>>, vector<1x16xf32>,
      } {sc.loop_unroll_factor = 2 : i64, sc.parallel_access}
      %add3A_94 = arith.constant 24576 : i32
      %add3A_95 = arith.addi %add3A_94, %add3A_14 : i32
      %dma_start3A_96 = arith.constant 0 : i32
      %dma_start3A_97 = tpu.memref_slice %arg4[%add3A_95, %dma_start3A_96] : memref<32768x1024xf32, #tpu.memory_space<hbm>> -> memref<16x1024xf32, #tpu.memory_space<hbm>>
      %dma_start3A_98 = arith.constant 0 : i32
      %dma_start3A_99 = tpu.memref_slice %arg4[%add3A_95, %dma_start3A_98] : memref<32768x1024xf32, #tpu.memory_space<hbm>> -> memref<16x1024xf32, #tpu.memory_space<hbm>>
      tpu.enqueue_dma source(%arg5 : memref<16x1024xf32, #tpu.memory_space<vmem>>) target(%dma_start3A_99 : memref<16x1024xf32, #tpu.memory_space<hbm>>) target_semaphore(%arg12 : memref<!tpu.dma_semaphore, #tpu.memory_space<semaphore_mem>>)
      %dma_wait3A_100 = arith.constant 0 : i32
      %dma_wait3A_101 = tpu.memref_slice %arg4[%add3A_59, %dma_wait3A_100] : memref<32768x1024xf32, #tpu.memory_space<hbm>> -> memref<16x1024xf32, #tpu.memory_space<hbm>>
      %dma_wait3A_102 = arith.constant 0 : i32
      %dma_wait3A_103 = tpu.memref_slice %arg4[%add3A_59, %dma_wait3A_102] : memref<32768x1024xf32, #tpu.memory_space<hbm>> -> memref<16x1024xf32, #tpu.memory_space<hbm>>
      tpu.wait_dma2 semaphore(%arg13 : memref<!tpu.dma_semaphore, #tpu.memory_space<semaphore_mem>>) src(%arg6 : memref<16x1024xf32, #tpu.memory_space<vmem>>) dst(%dma_wait3A_103 : memref<16x1024xf32, #tpu.memory_space<hbm>>)
      %dma_wait3A_104 = arith.constant 0 : i32
      %dma_wait3A_105 = tpu.memref_slice %arg4[%add3A_82, %dma_wait3A_104] : memref<32768x1024xf32, #tpu.memory_space<hbm>> -> memref<16x1024xf32, #tpu.memory_space<hbm>>
      %dma_wait3A_106 = arith.constant 0 : i32
      %dma_wait3A_107 = tpu.memref_slice %arg4[%add3A_82, %dma_wait3A_106] : memref<32768x1024xf32, #tpu.memory_space<hbm>> -> memref<16x1024xf32, #tpu.memory_space<hbm>>
      tpu.wait_dma2 semaphore(%arg14 : memref<!tpu.dma_semaphore, #tpu.memory_space<semaphore_mem>>) src(%arg7 : memref<16x1024xf32, #tpu.memory_space<vmem>>) dst(%dma_wait3A_107 : memref<16x1024xf32, #tpu.memory_space<hbm>>)
      %dma_wait3A_108 = arith.constant 0 : i32
      %dma_wait3A_109 = tpu.memref_slice %arg4[%add3A_95, %dma_wait3A_108] : memref<32768x1024xf32, #tpu.memory_space<hbm>> -> memref<16x1024xf32, #tpu.memory_space<hbm>>
      %dma_wait3A_110 = arith.constant 0 : i32
      %dma_wait3A_111 = tpu.memref_slice %arg4[%add3A_95, %dma_wait3A_110] : memref<32768x1024xf32, #tpu.memory_space<hbm>> -> memref<16x1024xf32, #tpu.memory_space<hbm>>
      tpu.wait_dma2 semaphore(%arg12 : memref<!tpu.dma_semaphore, #tpu.memory_space<semaphore_mem>>) src(%arg5 : memref<16x1024xf32, #tpu.memory_space<vmem>>) dst(%dma_wait3A_111 : memref<16x1024xf32, #tpu.memory_space<hbm>>)
    }
    %scan3A_6 = arith.constant 2 : i32
    return
  }
}

module attributes {stable_mosaic.version = 14 : i64} {
  func.func @_add_body(%arg0: i32, %arg1: i32, %arg2: memref<1x1024x1024xf32, #tpu.memory_space<vmem>>, %arg3: memref<1024x1024xf32, #tpu.memory_space<vmem>>, %arg4: memref<4x8192x1024xf32, #tpu.memory_space<hbm>>, %arg5: memref<1x1024x1024xf32, #tpu.memory_space<vmem>>) attributes {dimension_semantics = [#tpu.dimension_semantics<parallel>, #tpu.dimension_semantics<arbitrary>], iteration_bounds = array<i64: 7, 4>, scalar_prefetch = 0 : i64, scratch_operands = 0 : i64, tpu.core_type = #tpu.core_type<tc>, window_params = [{transform_indices = @transform_0, window_bounds = array<i64: 1, 1024, 1024>}, {transform_indices = @transform_1, window_bounds = array<i64: 1024, 1024>}, {}, {transform_indices = @transform_3, window_bounds = array<i64: 1, 1024, 1024>}]} {
    %get3A = arith.constant 0 : index
    %get3A_0 = arith.constant 0 : index
    %get3A_1 = arith.constant 0 : index
    %get3A_2 = vector.load %arg2[%get3A, %get3A_0, %get3A_1] : memref<1x1024x1024xf32, #tpu.memory_space<vmem>>, vector<1x1024x1024xf32>
    %get3A_3 = arith.constant 0 : index
    %get3A_4 = arith.constant 0 : index
    %get3A_5 = vector.load %arg3[%get3A_3, %get3A_4] : memref<1024x1024xf32, #tpu.memory_space<vmem>>, vector<1024x1024xf32>
    %broadcast_in_dim3A = vector.shape_cast %get3A_5 : vector<1024x1024xf32> to vector<1x1024x1024xf32>
    %add3A = arith.addf %get3A_2, %broadcast_in_dim3A : vector<1x1024x1024xf32>
    %swap3A = arith.constant 0 : index
    %swap3A_6 = arith.constant 0 : index
    %swap3A_7 = arith.constant 0 : index
    %swap3A_8 = vector.load %arg5[%swap3A, %swap3A_6, %swap3A_7] : memref<1x1024x1024xf32, #tpu.memory_space<vmem>>, vector<1x1024x1024xf32>
    tpu.vector_store %arg5[%swap3A, %swap3A_6, %swap3A_7], %add3A {strides = array<i32>} : memref<1x1024x1024xf32, #tpu.memory_space<vmem>>, vector<1x1024x1024xf32>,
    return
  }
  func.func @transform_0(%arg0: i32, %arg1: i32) -> (i32, i32, i32) {
    %add3A = arith.constant 1 : i32
    %add3A_0 = arith.addi %arg0, %add3A : i32
    %c0_i32 = arith.constant 0 : i32
    %c0_i32_1 = arith.constant 0 : i32
    return %arg1, %add3A_0, %c0_i32 : i32, i32, i32
  }
  func.func @transform_1(%arg0: i32, %arg1: i32) -> (i32, i32) {
    %add3A = arith.constant 1 : i32
    %add3A_0 = arith.addi %arg0, %add3A : i32
    %c0_i32 = arith.constant 0 : i32
    %c0_i32_1 = arith.constant 0 : i32
    return %add3A_0, %c0_i32 : i32, i32
  }
  func.func @transform_3(%arg0: i32, %arg1: i32) -> (i32, i32, i32) {
    %add3A = arith.constant 1 : i32
    %add3A_0 = arith.addi %arg0, %add3A : i32
    %c0_i32 = arith.constant 0 : i32
    %c0_i32_1 = arith.constant 0 : i32
    return %arg1, %add3A_0, %c0_i32 : i32, i32, i32
  }
}

</mosaic_0001>

<sc_bundles>
// kernel: kernel.4.cloned.1.call-start
scs
__scs_entry_jumppad:
0x0: {  	(pc) =	sbr.rel $0x88, $3  }
0x1: {  	(tag) =	ssettag $0x0;
	lr =	simm.s32 $0x1  }
0x2: {  	[smem:$0x3F9F] =	sst lr;
	_ =	strace $0xD0000000  }
0x3: {  	_ = 	snop  }
0x4: {  	_ = 	snop  }
0x5: {  	_ = 	snop  }
0x6: {  	_ = 	snop  }
0x7: {  	_ = 	snop  }
__scs_overlays_trampoline_lowered:
0x8: {  	[smem:$0x3FAE] =	sst s0  }
0x9: {  	[smem:$0x3FAF] =	sst s1  }
0xa: {  	[smem:$0x3FB0] =	sst s2  }
0xb: {  	[smem:$0x3FB1] =	sst s3  }
0xc: {  	[smem:$0x3FB2] =	sst s4  }
0xd: {  	[smem:$0x3FB3] =	sst s5  }
0xe: {  	[smem:$0x3FB4] =	sst s6  }
0xf: {  	[smem:$0x3FB5] =	sst s7  }
0x10: {  	[smem:$0x3FB6] =	sst s8  }
0x11: {  	[smem:$0x3FB7] =	sst s9;
	s0 =	simm.s32 @!p0 $0x0  }
0x12: {  	s1 =	sld [smem:$0x3F9D];
	s0 =	simm.s32 @p0 $0x1  }
0x13: {  	[smem:$0x3FB8] =	sst s0;
	s0 =	simm.s32 @!p1 $0x0  }
0x14: {  	s2 =	sld [smem:$0x3F9C];
	s0 =	simm.s32 @p1 $0x1  }
0x15: {  	[smem:$0x3FB9] =	sst s0;
	s0 =	simm.s32 @!p2 $0x0  }
0x16: {  	s3 =	sld [smem:$0x3FDB];
	s0 =	simm.s32 @p2 $0x1  }
0x17: {  	s4 =	simm.s32 $0x1BF5;
	[smem:$0x3FBB] =	sst s0  }
0x18: {  	s0 =	sld [smem:$0x3F9E];
	_ =	swait.ge [sflag:s4], $0x0  }
0x19: {  	s7 =	sld [smem:$0x3F9F]  }
0x1a: {  	s8 =	sadd.s32 $0xFFFFE003, lr  }
0x1b: {  	s9 =	sadd.s32 $0xFFFFFEF7, lr;
	s5 =	simm.s32 $0xFFFFFFFF;
	p2 =	slt.u32 s8, $0xFFFFF086  }
0x1c: {  	p1 =	slt.u32 s9, $0xF7A;
	s5 =	simm.s32 @!p2 $0x0  }
0x1d: {  	s5 =	simm.s32 @p1 $0x1;
	p0 =	seq.s32 s7, s2  }
0x1e: {  	s7 =	smul.u32 @!p0 $0xF7A, s2;
	p2 =	seq.s32 @!p0 s5, $0x0  }
0x1f: {  	s9 =	smul.u32 $0xF7A, s1;
	s8 =	simm.s32 @!p0 $0x1BF5;
	p2 =	por !p2, p0  }
0x20: {  	[sflag:s8] =	ssyncset.s32 @!p0 $0xFFFFF086;
	s6 =	sadd.s32 @!p0 s3, s7;
	s7 =	simm.s32 @!p0 $0x108  }
0x21: {  	s3 =	sadd.s32 s3, s9;
	s6 =	sadd.s32 @!p0 $0x88, s6;
	s7 =	simm.s32 @p2 $0x1082  }
0x22: {  	[simem:s7], [sflag:s8] =	dma.local @!p0 [hbm:s6], $0xF7A  }
0x23: {  	s9 =	sor.u32 $0xD0000000, s2;
	s6 =	simm.s32 $0x108;
	_ =	swait.ge @!p0 [sflag:s8], $0x0  }
0x24: {  	s3 =	sadd.s32 $0x88, s3;
	s6 =	simm.s32 @!p1 $0x1082;
	[sflag:s4] =	ssyncset.s32 $0xFFFFF086  }
0x25: {  	[simem:s6], [sflag:s4] =	dma.local [hbm:s3], $0xF7A  }
0x26: {  	[smem:$0x3F9F] =	sst s1;
	(tag) =	ssettag s2;
	_ =	strace s9  }
0x27: {  	s1 =	sld [smem:$0x3FAF]  }
0x28: {  	s2 =	sld [smem:$0x3FB0]  }
0x29: {  	s4 =	sld [smem:$0x3FB2]  }
0x2a: {  	p0 =	seq.s32 s5, $0x0;
	s5 =	sld [smem:$0x3FB3]  }
0x2b: {  	s6 =	sld [smem:$0x3FB4]  }
0x2c: {  	s7 =	sld [smem:$0x3FB5]  }
0x2d: {  	s3 =	simm.s32 $0x108;
	s8 =	sld [smem:$0x3FB6]  }
0x2e: {  	s3 =	simm.s32 @!p0 $0x1082;
	s9 =	sld [smem:$0x3FB7]  }
0x2f: {  	lr =	sadd.s32 s0, s3;
	s0 =	sld [smem:$0x3FAE]  }
0x30: {  	s3 =	sld [smem:$0x3FB1]  }
0x31: {  	[smem:$0x3FBA] =	sst s10  }
0x32: {  	s10 =	sld [smem:$0x3FB8];
	_ =	sdelay $0x3  }
0x33: {  	p0 =	seq.s32 s10, $0x1;
	s10 =	sld [smem:$0x3FBA];
	_ =	sdelay $0x3  }
0x34: {  	[smem:$0x3FBA] =	sst s10  }
0x35: {  	s10 =	sld [smem:$0x3FB9];
	_ =	sdelay $0x3  }
0x36: {  	p1 =	seq.s32 s10, $0x1;
	s10 =	sld [smem:$0x3FBA];
	_ =	sdelay $0x3  }
0x37: {  	[smem:$0x3FBA] =	sst s10  }
0x38: {  	s10 =	sld [smem:$0x3FBB]  }
0x39: {  	_ = 	snop;
	(pc) =	sbr.ind lr, $3  }
0x3a: {  	_ = 	snop  }
0x3b: {  	_ = 	snop  }
0x3c: {  	p2 =	seq.s32 s10, $0x1;
	s10 =	sld [smem:$0x3FBA]  }
0x3d: {  	_ =	shalt  }
0x3e: {  	_ =	shalt  }
0x3f: {  	_ =	shalt  }
0x40: {  	_ =	shalt  }
0x41: {  	_ =	shalt  }
0x42: {  	_ =	shalt  }
0x43: {  	_ =	shalt  }
0x44: {  	_ =	shalt  }
0x45: {  	_ =	shalt  }
0x46: {  	_ =	shalt  }
0x47: {  	_ =	shalt  }
0x48: {  	_ =	shalt  }
0x49: {  	_ =	shalt  }
0x4a: {  	_ =	shalt  }
0x4b: {  	_ =	shalt  }
0x4c: {  	_ =	shalt  }
0x4d: {  	_ =	shalt  }
0x4e: {  	_ =	shalt  }
0x4f: {  	_ =	shalt  }
0x50: {  	_ =	shalt  }
0x51: {  	_ =	shalt  }
0x52: {  	_ =	shalt  }
0x53: {  	_ =	shalt  }
0x54: {  	_ =	shalt  }
0x55: {  	_ =	shalt  }
0x56: {  	_ =	shalt  }
0x57: {  	_ =	shalt  }
0x58: {  	_ =	shalt  }
0x59: {  	_ =	shalt  }
0x5a: {  	_ =	shalt  }
0x5b: {  	_ =	shalt  }
0x5c: {  	_ =	shalt  }
0x5d: {  	_ =	shalt  }
0x5e: {  	_ =	shalt  }
0x5f: {  	_ =	shalt  }
0x60: {  	_ =	shalt  }
0x61: {  	_ =	shalt  }
0x62: {  	_ =	shalt  }
0x63: {  	_ =	shalt  }
0x64: {  	_ =	shalt  }
0x65: {  	_ =	shalt  }
0x66: {  	_ =	shalt  }
0x67: {  	_ =	shalt  }
0x68: {  	_ =	shalt  }
0x69: {  	_ =	shalt  }
0x6a: {  	_ =	shalt  }
0x6b: {  	_ =	shalt  }
0x6c: {  	_ =	shalt  }
0x6d: {  	_ =	shalt  }
0x6e: {  	_ =	shalt  }
0x6f: {  	_ =	shalt  }
0x70: {  	_ =	shalt  }
0x71: {  	_ =	shalt  }
0x72: {  	_ =	shalt  }
0x73: {  	_ =	shalt  }
0x74: {  	_ =	shalt  }
0x75: {  	_ =	shalt  }
0x76: {  	_ =	shalt  }
0x77: {  	_ =	shalt  }
0x78: {  	_ =	shalt  }
0x79: {  	_ =	shalt  }
0x7a: {  	_ =	shalt  }
0x7b: {  	_ =	shalt  }
0x7c: {  	_ =	shalt  }
0x7d: {  	_ =	shalt  }
0x7e: {  	_ =	shalt  }
0x7f: {  	_ =	shalt  }
0x80: {  	_ =	shalt  }
0x81: {  	_ =	shalt  }
0x82: {  	_ =	shalt  }
0x83: {  	_ =	shalt  }
0x84: {  	_ =	shalt  }
0x85: {  	_ =	shalt  }
0x86: {  	_ =	shalt  }
0x87: {  	_ =	shalt  }
.Lfunc_end0:
.L_simem_size_0:
called_computation_lowered:
.L_overlay_start_0:
0x88: {  	s2 =	sld [smem:$0x3FD9]  }
0x89: {  	s3 =	sld [smem:$0x3FFE];
	_ =	sdelay $0x1  }
0x8a: {  	s1 =	srdreg.scid  }
0x8b: {  	s0 =	sand.u32 $0x1, s1  }
0x8c: {  	s18 =	sshll.u32 s0, $0xA;
	s2 =	sadd.s32 s3, s2  }
0x8d: {  	s2 =	sadd.s32 s2, s18  }
0x8e: {  	[smem:$0x3FC6] =	sst s2  }
0x8f: {  	_ = 	snop  }
0x90: {  	s2 =	sld [smem:$0x3FC9]  }
0x91: {  	s19 =	sld [smem:$0x3FC8]  }
0x92: {  	s4 =	sld [smem:$0x3FD0];
	(tm) =	ssettm $0x1  }
0x93: {  	s5 =	sld [smem:$0x3FFB];
	_ =	sdelay $0x3  }
0x94: {  	_ =	strace s5  }
0x95: {  	s5 =	sld [smem:$0x3FFC];
	_ =	sdelay $0x3  }
0x96: {  	_ =	strace s5  }
0x97: {  	s5 =	sld [smem:$0x3FFD];
	_ =	sdelay $0x3  }
0x98: {  	_ =	strace s5  }
0x99: {  	_ =	strace $0x8FFFFFFF  }
0x9a: {  	s20 =	sld [smem:$0x3FDB];
	_ =	sdelay $0x1  }
0x9b: {  	s6 =	simm.s32 $_scs_section_size  }
0x9c: {  	s7 =	simm.s32 $_size__tile_overlayer_lowered;
	s8 =	simm.s32 $_tile_overlayer_lowered  }
0x9d: {  	s23 =	simm.s32 $0x1BFF;
	s22 =	sshll.u32 s8, $0x1;
	s5 =	sadd.s32 s6, s20  }
0x9e: {  	s9 =	simm.s32 $0x0;
	s21 =	sshll.u32 s7, $0x1;
	s7 =	sadd.s32 s22, s5  }
0x9f: {  	[timem:s9], [sflag:s23] =	dma.local [hbm:s7], s21  }
0xa0: {  	_ =	swait.ge [sflag:s23], s21  }
0xa1: {  	s6 =	ssub.s32 $0x0, s21;
	[sflag:s23] =	ssyncset.done $0x0  }
0xa2: {  	[sflag:s23] =	ssyncadd.s32 s6;
	_ =	sdelay $0x1  }
0xa3: {  	s24 =	simm.s32 $0x1B8B  }
0xa4: {  	_ =	swait.ge [sflag:s24], $0x1  }
0xa5: {  	[sflag:s24] =	ssyncset.done $0x0  }
0xa6: {  	s25 =	simm.s32 $0x1B8E;
	[sflag:s24] =	ssyncadd.s32 $0xFFFFFFFF  }
0xa7: {  	s26 =	simm.s32 $execute0_lowered;
	[smem:$0x3FD2] =	sst s25  }
0xa8: {  	s6 =	sshll.u32 s26, $0x1;
	_ =	strace $0x80000046;
	[dreg:$0x1] =	wrdreg $0xFFFFFFFF  }
0xa9: {  	s28 =	simm.s32 $_size_execute0_lowered;
	s5 =	sadd.s32 s5, s6;
	[dreg:$0x0] =	wrdreg $0x0  }
0xaa: {  	s6 =	sshll.u32 s28, $0x1;
	[dreg:$0x2] =	wrdreg s5  }
0xab: {  	[dreg:$0x3] =	wrdreg s6  }
0xac: {  	[dreg:$0x4] =	wrdreg $0xC0  }
0xad: {  	_ =	task [dreg:s9], $0x5FFFF  }
0xae: {  	[dreg:$0x1] =	wrdreg $0xFFFFFFFF  }
0xaf: {  	[dreg:$0x0] =	wrdreg $0x60  }
0xb0: {  	[dreg:$0x2] =	wrdreg s2  }
0xb1: {  	[dreg:$0x3] =	wrdreg s19  }
0xb2: {  	[dreg:$0x4] =	wrdreg s4  }
0xb3: {  	[dreg:$0x5] =	wrdreg $0x9  }
0xb4: {  	_ =	task.clear_ibuf [dreg:s9], $0x6FFFF;
	_ =	strace $0x90000046  }
0xb5: {  	s29 =	simm.s32 $0x9;
	_ =	strace $0x80000048  }
0xb6: {  	_ =	swait.ge [sflag:s29], $0x1  }
0xb7: {  	[sflag:s29] =	ssyncadd.s32 $0xFFFFFFFF  }
0xb8: {  	_ =	strace $0x90000048  }
0xb9: {  	_ =	sfence  }
0xba: {  	s30 =	sld [smem:$0x0];
	_ =	sdelay $0x2  }
0xbb: {  	s31 =	sshll.u32 s1, $0xD;
	s1 =	sshrl.u32 s1, $0x2  }
0xbc: {  	s3 =	sand.u32 $0x4000, s31;
	s1 =	sadd.s32 s1, s30  }
0xbd: {  	s0 =	sor.u32 s3, s0;
	s1 =	sshll.u32 s1, $0x11  }
0xbe: {  	s0 =	sor.u32 s1, s0  }
0xbf: {  	s0 =	sadd.s32 $0x8F2B, s0  }
0xc0: {  	[sflag:s0] =	ssyncadd.remote.s32 $0x1  }
0xc1: {  	_ =	sfence.sel $0xFFFF  }
0xc2: {  	[dreg:$0x0] =	wrdreg $0xFFFFFFFF;
	(pc) =	sbr.abs _section_cstart, $3  }
0xc3: {  	[dreg:$0x1] =	wrdreg $0xFFFFFFFF  }
0xc4: {  	_ =	task.clear_ibuf [dreg:s9], $0x2FFFF;
	_ =	strace $0x9FFFFFFF  }
0xc5: {  	(tm) =	ssettm $0x7FFFFFFF  }
tec
execute0_lowered:
.L_overlay_start_1:
0x0: {  	(tag) =	ssettag $0x1  }
0x1: {  	s0 =	srdreg.scid  }
0x2: {  	s0 =	sand.u32 $0x1, s0  }
0x3: {  	s1 =	simm.s32 $0x0;
	s3 =	stileid.u32;
	s30 =	ssub.s32 $0x2, s0  }
0x4: {  	s4 =	sshll.u32 s3, $0xD;
	s0 =	sshll.u32 s0, $0xC;
	s2 =	sshrl.u32 s30, $0x1  }
0x5: {  	[smem:$0x7FF] =	sst s1;
	s0 =	sor.u32 s0, s4;
	s1 =	ssub.s32 s30, s2  }
0x6: {  	_ =	strace $0x80000047;
	[dreg:$0x4] =	wrdreg s0;
	s31 =	smax.u32 s1, $0x1  }
0x7: {  	s17 =	simm.s32 $0x1;
	s1 =	simm.s32 $0x0;
	[dreg:$0x5] =	wrdreg s31  }
.LBB2_1:
0x8: {  	[dreg:$0x6] =	wrdreg s1;
	p1 =	por $0x1, $0x1;
	s0 =	simm.s32 $0x0  }
.LBB2_2:
0x9: {  	s1 =	rddreg [dreg:$0x4]  }
0xa: {  	s11 =	rddreg [dreg:$0x1];
	s12 =	simm.s32 $0x0;
	s19 =	sor.u32 s1, s0  }
0xb: {  	s2 =	simm.s32 $0xC000;
	s13 =	simm.s32 $0x7;
	s0 =	sadd.s32 s11, s19  }
0xc: {  	[tilespmem:s2], [sflag:$0x7] =	stream.linear.gather [hbm4b:s0+s12], $0x4000, $0x38;
	[tilespmem:$0x10000] =	vst v63  }
0xd: {  	_ =	swait.ge [sflag:s13], $0x4000  }
0xe: {  	[sflag:s13] =	ssyncset.done $0x0  }
0xf: {  	[sflag:s13] =	ssyncadd.s32 $0xFFFFC000  }
0x10: {  	s14 =	rddreg [dreg:$0x0]  }
0x11: {  	s16 =	sor.u32 $0x100000, s19;
	s15 =	sadd.s32 s14, s19  }
0x12: {  	[tilespmem:s12], [sflag:$0x1] =	stream.linear.gather [hbm4b:s15+s12], $0x4000, $0x38;
	[tilespmem:$0x10000] =	vst v63  }
0x13: {  	s18 =	simm.s32 $0x4000;
	[dreg:$0x8] =	wrdreg s16;
	s0 =	sadd.s32 s14, s16  }
0x14: {  	[tilespmem:s18], [sflag:$0x2] =	stream.linear.gather [hbm4b:s0+s12], $0x4000, $0x38;
	[tilespmem:$0x10000] =	vst v63  }
0x15: {  	_ =	swait.ge [sflag:s17], $0x4000  }
0x16: {  	s20 =	sand.u32 $0x60, s12;
	s21 =	sand.u32 $0x1C00, s12;
	[sflag:s17] =	ssyncset.done $0x0  }
0x17: {  	s0 =	sor.u32 s20, s21;
	[sflag:s17] =	ssyncadd.s32 $0xFFFFC000  }
0x18: {  	v0 =	vld [tilespmem:s0+$0xC010];
	_ =	sdelay $0x3  }
0x19: {  	s2 =	sor.u32 $0x10, s0  }
0x1a: {  	[tilespmem:s2+$0x0] =	vst.add.f32.msk $0xffff, v0  }
0x1b: {  	v0 =	vld [tilespmem:s0+$0xC090];
	_ =	sdelay $0x3  }
0x1c: {  	s22 =	sor.u32 $0x90, s0;
	v1 =	vld [tilespmem:s0+$0xC000]  }
0x1d: {  	[tilespmem:s22+$0x0] =	vst.add.f32.msk $0xffff, v0  }
0x1e: {  	v0 =	vld [tilespmem:s0+$0xC110];
	_ =	sdelay $0x1  }
0x1f: {  	v2 =	vld [tilespmem:s0+$0xC080];
	_ =	sdelay $0x1  }
0x20: {  	s23 =	sor.u32 $0x110, s0;
	[tilespmem:s0+$0x0] =	vst.add.f32.msk $0xffff, v1  }
0x21: {  	[tilespmem:s23+$0x0] =	vst.add.f32.msk $0xffff, v0  }
0x22: {  	s24 =	sor.u32 $0x80, s0;
	v0 =	vld [tilespmem:s0+$0xC190]  }
0x23: {  	[tilespmem:s24+$0x0] =	vst.add.f32.msk $0xffff, v2  }
0x24: {  	v1 =	vld [tilespmem:s0+$0xC100];
	_ =	sdelay $0x1  }
0x25: {  	s25 =	sor.u32 $0x190, s0  }
0x26: {  	[tilespmem:s25+$0x0] =	vst.add.f32.msk $0xffff, v0  }
0x27: {  	s26 =	sor.u32 $0x100, s0;
	v0 =	vld [tilespmem:s0+$0xC210]  }
0x28: {  	[tilespmem:s26+$0x0] =	vst.add.f32.msk $0xffff, v1  }
0x29: {  	v1 =	vld [tilespmem:s0+$0xC180];
	_ =	sdelay $0x1  }
0x2a: {  	s3 =	sor.u32 $0x210, s0  }
0x2b: {  	[tilespmem:s3+$0x0] =	vst.add.f32.msk $0xffff, v0  }
0x2c: {  	s4 =	sor.u32 $0x180, s0;
	v0 =	vld [tilespmem:s0+$0xC290]  }
0x2d: {  	s5 =	sand.u32 $0x3, s12;
	[tilespmem:s4+$0x0] =	vst.add.f32.msk $0xffff, v1  }
0x2e: {  	s2 =	sshll.u32 s5, $0x5;
	v1 =	vld [tilespmem:s0+$0xC200]  }
0x2f: {  	s2 =	sadd.s32 $0x0, s2  }
0x30: {  	s7 =	sadd.s32 $0x10, s2;
	s4 =	sor.u32 $0x290, s0  }
0x31: {  	s6 =	sor.u32 $0x300, s7;
	[tilespmem:s4+$0x0] =	vst.add.f32.msk $0xffff, v0  }
0x32: {  	s5 =	sor.u32 $0x200, s0;
	v0 =	vld [tilespmem:s6+$0xC000]  }
0x33: {  	[tilespmem:s5+$0x0] =	vst.add.f32.msk $0xffff, v1  }
0x34: {  	v1 =	vld [tilespmem:s0+$0xC280];
	_ =	sdelay $0x2  }
0x35: {  	s8 =	sor.u32 $0x380, s7;
	[tilespmem:s6+$0x0] =	vst.add.f32.msk $0xffff, v0  }
0x36: {  	s9 =	sor.u32 $0x280, s0;
	v0 =	vld [tilespmem:s8+$0xC000]  }
0x37: {  	[tilespmem:s9+$0x0] =	vst.add.f32.msk $0xffff, v1;
	s6 =	sor.u32 $0x300, s2  }
0x38: {  	v1 =	vld [tilespmem:s6+$0xC000];
	_ =	sdelay $0x2  }
0x39: {  	[tilespmem:s8+$0x0] =	vst.add.f32.msk $0xffff, v0  }
0x3a: {  	s4 =	sor.u32 s12, s12;
	v0 =	vld [tilespmem:s0+$0xE010]  }
0x3b: {  	s1 =	sor.u32 $0x380, s4;
	[tilespmem:s6+$0x0] =	vst.add.f32.msk $0xffff, v1  }
0x3c: {  	v1 =	vld [tilespmem:s1+$0xC000];
	_ =	sdelay $0x1  }
0x3d: {  	s10 =	sor.u32 $0x2010, s0  }
0x3e: {  	[tilespmem:s10+$0x0] =	vst.add.f32.msk $0xffff, v0  }
0x3f: {  	v0 =	vld [tilespmem:s0+$0xE090]  }
0x40: {  	s5 =	simm.s32 $0x100;
	s6 =	simm.s32 $0x20;
	[tilespmem:s1+$0x0] =	vst.add.f32.msk $0xffff, v1  }
0x41: {  	s8 =	sand.u32 $0x1C00, s5;
	s13 =	sand.u32 $0x60, s6;
	v1 =	vld [tilespmem:s0+$0xE000]  }
0x42: {  	s20 =	sor.u32 s13, s8  }
0x43: {  	s11 =	sor.u32 $0x2090, s0;
	v2 =	vld [tilespmem:s20+$0xC010]  }
0x44: {  	[tilespmem:s11+$0x0] =	vst.add.f32.msk $0xffff, v0  }
0x45: {  	s12 =	sor.u32 $0x2000, s0;
	v0 =	vld [tilespmem:s0+$0xE110]  }
0x46: {  	[tilespmem:s12+$0x0] =	vst.add.f32.msk $0xffff, v1  }
0x47: {  	s16 =	sor.u32 $0x10, s20;
	v1 =	vld [tilespmem:s0+$0xE080]  }
0x48: {  	[tilespmem:s16+$0x0] =	vst.add.f32.msk $0xffff, v2  }
0x49: {  	s14 =	sor.u32 $0x2110, s0;
	v2 =	vld [tilespmem:s20+$0xC090]  }
0x4a: {  	[tilespmem:s14+$0x0] =	vst.add.f32.msk $0xffff, v0  }
0x4b: {  	s15 =	sor.u32 $0x2080, s0;
	v0 =	vld [tilespmem:s0+$0xE190]  }
0x4c: {  	[tilespmem:s15+$0x0] =	vst.add.f32.msk $0xffff, v1  }
0x4d: {  	v1 =	vld [tilespmem:s20+$0xC000]  }
0x4e: {  	v3 =	vld [tilespmem:s20+$0xC080];
	s18 =	sor.u32 $0x90, s20  }
0x4f: {  	s17 =	sor.u32 $0x2190, s0;
	[tilespmem:s18+$0x0] =	vst.add.f32.msk $0xffff, v2  }
0x50: {  	[tilespmem:s17+$0x0] =	vst.add.f32.msk $0xffff, v0  }
0x51: {  	v0 =	vld [tilespmem:s0+$0xE210]  }
0x52: {  	[tilespmem:s20+$0x0] =	vst.add.f32.msk $0xffff, v1  }
0x53: {  	s22 =	sor.u32 $0x80, s20;
	v1 =	vld [tilespmem:s20+$0xC110]  }
0x54: {  	[tilespmem:s22+$0x0] =	vst.add.f32.msk $0xffff, v3  }
0x55: {  	s21 =	sor.u32 $0x2210, s0;
	v2 =	vld [tilespmem:s20+$0xC100]  }
0x56: {  	[tilespmem:s21+$0x0] =	vst.add.f32.msk $0xffff, v0  }
0x57: {  	s23 =	sor.u32 $0x110, s20;
	v0 =	vld [tilespmem:s0+$0xE290]  }
0x58: {  	[tilespmem:s23+$0x0] =	vst.add.f32.msk $0xffff, v1  }
0x59: {  	s8 =	sor.u32 $0x100, s20;
	v1 =	vld [tilespmem:s20+$0xC190]  }
0x5a: {  	[tilespmem:s8+$0x0] =	vst.add.f32.msk $0xffff, v2  }
0x5b: {  	s24 =	sor.u32 $0x2290, s0;
	v2 =	vld [tilespmem:s20+$0xC180]  }
0x5c: {  	s25 =	sor.u32 $0x2300, s7;
	[tilespmem:s24+$0x0] =	vst.add.f32.msk $0xffff, v0  }
0x5d: {  	s26 =	sor.u32 $0x190, s20;
	v0 =	vld [tilespmem:s25+$0xC000]  }
0x5e: {  	[tilespmem:s26+$0x0] =	vst.add.f32.msk $0xffff, v1  }
0x5f: {  	s8 =	sor.u32 $0x180, s20;
	v1 =	vld [tilespmem:s20+$0xC210]  }
0x60: {  	[tilespmem:s8+$0x0] =	vst.add.f32.msk $0xffff, v2  }
0x61: {  	v2 =	vld [tilespmem:s20+$0xC200]  }
0x62: {  	s3 =	sor.u32 $0x2380, s7;
	[tilespmem:s25+$0x0] =	vst.add.f32.msk $0xffff, v0  }
0x63: {  	s9 =	sor.u32 $0x210, s20;
	v0 =	vld [tilespmem:s3+$0xC000]  }
0x64: {  	[tilespmem:s9+$0x0] =	vst.add.f32.msk $0xffff, v1  }
0x65: {  	s22 =	simm.s32 $0x1;
	v1 =	vld [tilespmem:s20+$0xC290]  }
0x66: {  	s11 =	sor.u32 $0x200, s20;
	v3 =	vld [tilespmem:s0+$0xE100];
	s10 =	sand.u32 $0x3, s22  }
0x67: {  	s12 =	sshll.u32 s10, $0x5;
	[tilespmem:s11+$0x0] =	vst.add.f32.msk $0xffff, v2  }
0x68: {  	s1 =	sadd.s32 $0x100, s12;
	[tilespmem:s3+$0x0] =	vst.add.f32.msk $0xffff, v0  }
0x69: {  	s13 =	sor.u32 $0x290, s20;
	s23 =	sadd.s32 $0x10, s1;
	v0 =	vld [tilespmem:s20+$0xC280]  }
0x6a: {  	s14 =	sor.u32 $0x300, s23;
	[tilespmem:s13+$0x0] =	vst.add.f32.msk $0xffff, v1  }
0x6b: {  	s15 =	sor.u32 $0x2100, s0;
	v1 =	vld [tilespmem:s14+$0xC000]  }
0x6c: {  	[tilespmem:s15+$0x0] =	vst.add.f32.msk $0xffff, v3  }
0x6d: {  	s16 =	sor.u32 $0x280, s20;
	v2 =	vld [tilespmem:s0+$0xE180]  }
0x6e: {  	s9 =	sor.u32 $0x300, s1;
	[tilespmem:s16+$0x0] =	vst.add.f32.msk $0xffff, v0  }
0x6f: {  	v0 =	vld [tilespmem:s9+$0xC000]  }
0x70: {  	s17 =	sor.u32 $0x380, s23;
	[tilespmem:s14+$0x0] =	vst.add.f32.msk $0xffff, v1  }
0x71: {  	s18 =	sor.u32 $0x2180, s0;
	v1 =	vld [tilespmem:s17+$0xC000]  }
0x72: {  	[tilespmem:s18+$0x0] =	vst.add.f32.msk $0xffff, v2  }
0x73: {  	s5 =	sor.u32 s6, s5;
	v2 =	vld [tilespmem:s0+$0xE200]  }
0x74: {  	s6 =	sor.u32 $0x380, s5;
	[tilespmem:s9+$0x0] =	vst.add.f32.msk $0xffff, v0  }
0x75: {  	v0 =	vld [tilespmem:s6+$0xC000]  }
0x76: {  	[tilespmem:s17+$0x0] =	vst.add.f32.msk $0xffff, v1  }
0x77: {  	s21 =	sor.u32 $0x2200, s0;
	v1 =	vld [tilespmem:s20+$0xE010]  }
0x78: {  	[tilespmem:s21+$0x0] =	vst.add.f32.msk $0xffff, v2  }
0x79: {  	v2 =	vld [tilespmem:s0+$0xE280]  }
0x7a: {  	[tilespmem:s6+$0x0] =	vst.add.f32.msk $0xffff, v0  }
0x7b: {  	s24 =	sor.u32 $0x2010, s20;
	v0 =	vld [tilespmem:s20+$0xE000]  }
0x7c: {  	[tilespmem:s24+$0x0] =	vst.add.f32.msk $0xffff, v1  }
0x7d: {  	s0 =	sor.u32 $0x2280, s0;
	v1 =	vld [tilespmem:s20+$0xE090]  }
0x7e: {  	s2 =	sor.u32 $0x2300, s2;
	[tilespmem:s0+$0x0] =	vst.add.f32.msk $0xffff, v2  }
0x7f: {  	s25 =	sor.u32 $0x2000, s20;
	v2 =	vld [tilespmem:s2+$0xC000]  }
0x80: {  	p0 =	por p1, p1;
	[tilespmem:s25+$0x0] =	vst.add.f32.msk $0xffff, v0  }
0x81: {  	s7 =	simm.s32 $0x40;
	s31 =	sor.u32 $0x2100, s20;
	s26 =	sor.u32 $0x2090, s20;
	v0 =	vld [tilespmem:s20+$0xE080]  }
0x82: {  	s30 =	sor.u32 $0x2180, s20;
	s29 =	sor.u32 $0x2200, s20;
	s28 =	sor.u32 $0x2280, s20;
	[tilespmem:s26+$0x0] =	vst.add.f32.msk $0xffff, v1  }
0x83: {  	s18 =	sor.u32 $0x2080, s20;
	s0 =	simm.s32 $0x2;
	s24 =	sor.u32 $0x2380, s4;
	v1 =	vld [tilespmem:s20+$0xE110]  }
0x84: {  	s4 =	simm.s32 $0x200;
	[tilespmem:s2+$0x0] =	vst.add.f32.msk $0xffff, v2;
	s26 =	sor.u32 $0x2300, s1;
	s25 =	sor.u32 $0x2380, s5  }
.LBB2_3:
0x85: {  	s1 =	sand.u32 $0x60, s7;
	s2 =	sand.u32 $0x1C00, s4;
	s0 =	sadd.s32 $0x2, s0;
	v2 =	vld [tilespmem:s24+$0xC000]  }
0x86: {  	s2 =	sor.u32 s1, s2;
	s1 =	sor.u32 s7, s4;
	p1 =	slt.u32 s0, $0x3E;
	[tilespmem:s18+$0x0] =	vst.add.f32.msk $0xffff, v0  }
0x87: {  	s5 =	sor.u32 $0x2110, s20;
	s3 =	sor.u32 $0x80, s2;
	s11 =	sor.u32 $0x100, s2;
	v0 =	vld [tilespmem:s2+$0xC010]  }
0x88: {  	s17 =	sor.u32 $0x180, s2;
	s15 =	sor.u32 $0x200, s2;
	s12 =	sor.u32 $0x280, s2;
	[tilespmem:s5+$0x0] =	vst.add.f32.msk $0xffff, v1  }
0x89: {  	s8 =	sor.u32 $0x380, s1;
	s18 =	sor.u32 $0x2080, s2;
	s5 =	sor.u32 $0x2000, s2;
	v1 =	vld [tilespmem:s20+$0xE190]  }
0x8a: {  	s16 =	sor.u32 $0x2100, s2;
	s9 =	sor.u32 $0x2180, s2;
	s10 =	sor.u32 $0x2200, s2;
	v3 =	vld [tilespmem:s2+$0xC000]  }
0x8b: {  	s6 =	sor.u32 $0x2280, s2;
	s13 =	sor.u32 $0x2380, s1;
	s1 =	sor.u32 $0x10, s2;
	v4 =	vld [tilespmem:s2+$0xC080]  }
0x8c: {  	[tilespmem:s1+$0x0] =	vst.add.f32.msk $0xffff, v0  }
0x8d: {  	s1 =	sor.u32 $0x2190, s20;
	v0 =	vld [tilespmem:s2+$0xC090]  }
0x8e: {  	[tilespmem:s1+$0x0] =	vst.add.f32.msk $0xffff, v1  }
0x8f: {  	v1 =	vld [tilespmem:s20+$0xE210]  }
0x90: {  	[tilespmem:s2+$0x0] =	vst.add.f32.msk $0xffff, v3  }
0x91: {  	s1 =	sor.u32 $0x90, s2;
	[tilespmem:s3+$0x0] =	vst.add.f32.msk $0xffff, v4  }
0x92: {  	[tilespmem:s1+$0x0] =	vst.add.f32.msk $0xffff, v0  }
0x93: {  	s1 =	sor.u32 $0x2210, s20;
	v0 =	vld [tilespmem:s2+$0xC110]  }
0x94: {  	[tilespmem:s1+$0x0] =	vst.add.f32.msk $0xffff, v1  }
0x95: {  	v1 =	vld [tilespmem:s20+$0xE290]  }
0x96: {  	v3 =	vld [tilespmem:s2+$0xC100]  }
0x97: {  	s1 =	sor.u32 $0x110, s2;
	v4 =	vld [tilespmem:s20+$0xE100]  }
0x98: {  	[tilespmem:s1+$0x0] =	vst.add.f32.msk $0xffff, v0  }
0x99: {  	s1 =	sor.u32 $0x2290, s20;
	v0 =	vld [tilespmem:s2+$0xC190]  }
0x9a: {  	[tilespmem:s1+$0x0] =	vst.add.f32.msk $0xffff, v1;
	s1 =	sor.u32 $0x2300, s23  }
0x9b: {  	v1 =	vld [tilespmem:s1+$0xC000]  }
0x9c: {  	[tilespmem:s11+$0x0] =	vst.add.f32.msk $0xffff, v3  }
0x9d: {  	s3 =	sor.u32 $0x190, s2;
	v3 =	vld [tilespmem:s2+$0xC180]  }
0x9e: {  	[tilespmem:s3+$0x0] =	vst.add.f32.msk $0xffff, v0  }
0x9f: {  	v0 =	vld [tilespmem:s2+$0xC210]  }
0xa0: {  	[tilespmem:s1+$0x0] =	vst.add.f32.msk $0xffff, v1;
	s1 =	sor.u32 $0x2380, s23  }
0xa1: {  	v1 =	vld [tilespmem:s1+$0xC000]  }
0xa2: {  	[tilespmem:s17+$0x0] =	vst.add.f32.msk $0xffff, v3  }
0xa3: {  	s3 =	sor.u32 $0x210, s2;
	v3 =	vld [tilespmem:s2+$0xC200]  }
0xa4: {  	[tilespmem:s3+$0x0] =	vst.add.f32.msk $0xffff, v0  }
0xa5: {  	s22 =	sadd.s32 $0x1, s22;
	v0 =	vld [tilespmem:s2+$0xC290]  }
0xa6: {  	s3 =	sand.u32 $0x3, s22;
	[tilespmem:s1+$0x0] =	vst.add.f32.msk $0xffff, v1  }
0xa7: {  	s1 =	sshll.u32 s3, $0x5;
	[tilespmem:s31+$0x0] =	vst.add.f32.msk $0xffff, v4;
	s31 =	smov.u32 s16  }
0xa8: {  	s1 =	sadd.s32 s1, s4;
	[tilespmem:s15+$0x0] =	vst.add.f32.msk $0xffff, v3  }
0xa9: {  	s11 =	sor.u32 $0x290, s2;
	s3 =	sor.u32 $0x300, s1;
	s23 =	sadd.s32 $0x10, s1;
	v1 =	vld [tilespmem:s2+$0xC280]  }
0xaa: {  	s1 =	sor.u32 $0x2300, s1;
	[tilespmem:s11+$0x0] =	vst.add.f32.msk $0xffff, v0;
	s11 =	sor.u32 $0x300, s23  }
0xab: {  	v0 =	vld [tilespmem:s11+$0xC000]  }
0xac: {  	v3 =	vld [tilespmem:s20+$0xE180]  }
0xad: {  	[tilespmem:s24+$0x0] =	vst.add.f32.msk $0xffff, v2;
	s24 =	smov.u32 s25;
	s25 =	smov.u32 s13  }
0xae: {  	[tilespmem:s12+$0x0] =	vst.add.f32.msk $0xffff, v1  }
0xaf: {  	v1 =	vld [tilespmem:s3+$0xC000]  }
0xb0: {  	[tilespmem:s11+$0x0] =	vst.add.f32.msk $0xffff, v0;
	s11 =	sor.u32 $0x380, s23  }
0xb1: {  	v0 =	vld [tilespmem:s11+$0xC000]  }
0xb2: {  	[tilespmem:s30+$0x0] =	vst.add.f32.msk $0xffff, v3;
	s30 =	smov.u32 s9  }
0xb3: {  	v2 =	vld [tilespmem:s20+$0xE200]  }
0xb4: {  	[tilespmem:s3+$0x0] =	vst.add.f32.msk $0xffff, v1  }
0xb5: {  	v1 =	vld [tilespmem:s8+$0xC000]  }
0xb6: {  	[tilespmem:s11+$0x0] =	vst.add.f32.msk $0xffff, v0  }
0xb7: {  	v0 =	vld [tilespmem:s2+$0xE010]  }
0xb8: {  	[tilespmem:s29+$0x0] =	vst.add.f32.msk $0xffff, v2;
	s29 =	smov.u32 s10  }
0xb9: {  	v2 =	vld [tilespmem:s20+$0xE280];
	s20 =	smov.u32 s2  }
0xba: {  	[tilespmem:s8+$0x0] =	vst.add.f32.msk $0xffff, v1  }
0xbb: {  	s2 =	sor.u32 $0x2010, s20;
	v1 =	vld [tilespmem:s20+$0xE000]  }
0xbc: {  	[tilespmem:s2+$0x0] =	vst.add.f32.msk $0xffff, v0  }
0xbd: {  	v3 =	vld [tilespmem:s20+$0xE090]  }
0xbe: {  	[tilespmem:s28+$0x0] =	vst.add.f32.msk $0xffff, v2;
	s28 =	smov.u32 s6  }
0xbf: {  	v2 =	vld [tilespmem:s26+$0xC000]  }
.Ltmp0:
0xc0: {  	[tilespmem:s5+$0x0] =	vst.add.f32.msk $0xffff, v1;
	(pc) =	sbr.rel @p1 .LBB2_3-.Ltmp0, $4  }
0xc1: {  	s2 =	sor.u32 $0x2090, s20;
	v0 =	vld [tilespmem:s20+$0xE080]  }
0xc2: {  	[tilespmem:s2+$0x0] =	vst.add.f32.msk $0xffff, v3  }
0xc3: {  	v1 =	vld [tilespmem:s20+$0xE110]  }
0xc4: {  	s7 =	sadd.s32 $0x20, s7;
	s4 =	sadd.s32 $0x100, s4;
	[tilespmem:s26+$0x0] =	vst.add.f32.msk $0xffff, v2;
	s26 =	smov.u32 s1  }
0xc5: {  	_ = 	snop  }
0xc6: {  	[tilespmem:s18+$0x0] =	vst.add.f32.msk $0xffff, v0  }
0xc7: {  	v0 =	vld [tilespmem:s20+$0xE100];
	_ =	sdelay $0x1  }
0xc8: {  	s0 =	sor.u32 $0x2110, s20  }
0xc9: {  	[tilespmem:s0+$0x0] =	vst.add.f32.msk $0xffff, v1  }
0xca: {  	v1 =	vld [tilespmem:s20+$0xE190]  }
0xcb: {  	[tilespmem:s31+$0x0] =	vst.add.f32.msk $0xffff, v0  }
0xcc: {  	v0 =	vld [tilespmem:s20+$0xE180];
	_ =	sdelay $0x1  }
0xcd: {  	s3 =	sor.u32 $0x2190, s20  }
0xce: {  	[tilespmem:s3+$0x0] =	vst.add.f32.msk $0xffff, v1  }
0xcf: {  	v1 =	vld [tilespmem:s20+$0xE210]  }
0xd0: {  	[tilespmem:s30+$0x0] =	vst.add.f32.msk $0xffff, v0  }
0xd1: {  	v0 =	vld [tilespmem:s20+$0xE200];
	_ =	sdelay $0x1  }
0xd2: {  	s4 =	sor.u32 $0x2210, s20  }
0xd3: {  	[tilespmem:s4+$0x0] =	vst.add.f32.msk $0xffff, v1  }
0xd4: {  	v1 =	vld [tilespmem:s20+$0xE290]  }
0xd5: {  	[tilespmem:s29+$0x0] =	vst.add.f32.msk $0xffff, v0  }
0xd6: {  	v0 =	vld [tilespmem:s20+$0xE280];
	_ =	sdelay $0x1  }
0xd7: {  	s5 =	sor.u32 $0x2290, s20  }
0xd8: {  	s6 =	sor.u32 $0x2300, s23;
	[tilespmem:s5+$0x0] =	vst.add.f32.msk $0xffff, v1  }
0xd9: {  	v1 =	vld [tilespmem:s6+$0xC000]  }
0xda: {  	[tilespmem:s28+$0x0] =	vst.add.f32.msk $0xffff, v0  }
0xdb: {  	v0 =	vld [tilespmem:s26+$0xC000];
	_ =	sdelay $0x1  }
0xdc: {  	v2 =	vld [tilespmem:s24+$0xC000]  }
0xdd: {  	s7 =	sor.u32 $0x2380, s23;
	[tilespmem:s6+$0x0] =	vst.add.f32.msk $0xffff, v1  }
0xde: {  	v1 =	vld [tilespmem:s7+$0xC000]  }
0xdf: {  	[tilespmem:s26+$0x0] =	vst.add.f32.msk $0xffff, v0  }
0xe0: {  	v0 =	vld [tilespmem:s25+$0xC000];
	_ =	sdelay $0x2  }
0xe1: {  	[tilespmem:s24+$0x0] =	vst.add.f32.msk $0xffff, v2  }
0xe2: {  	s8 =	rddreg [dreg:$0x2];
	s1 =	simm.s32 $0x0;
	s2 =	sor.u32 $0x200000, s19;
	[tilespmem:s7+$0x0] =	vst.add.f32.msk $0xffff, v1  }
0xe3: {  	s9 =	rddreg [dreg:$0x0];
	s10 =	simm.s32 $0x8000;
	s0 =	sadd.s32 s8, s19;
	[tilespmem:s25+$0x0] =	vst.add.f32.msk $0xffff, v0  }
0xe4: {  	[hbm4b:s0+s1] =	stream.linear.scatter [tilespmem:s1], [sflag:$0x4], $0x4000, $0x38;
	[tilespmem:$0x10000] =	vst v63  }
0xe5: {  	s3 =	simm.s32 $0x2;
	[dreg:$0x7] =	wrdreg s2;
	s0 =	sadd.s32 s9, s2  }
0xe6: {  	[tilespmem:s10], [sflag:$0x3] =	stream.linear.gather [hbm4b:s0+s1], $0x4000, $0x38;
	[tilespmem:$0x10000] =	vst v63  }
0xe7: {  	_ =	swait.ge [sflag:s3], $0x4000  }
0xe8: {  	s11 =	sand.u32 $0x60, s1;
	s12 =	sand.u32 $0x1C00, s1;
	[sflag:s3] =	ssyncset.done $0x0  }
0xe9: {  	s0 =	sor.u32 s11, s12;
	[sflag:s3] =	ssyncadd.s32 $0xFFFFC000  }
0xea: {  	v0 =	vld [tilespmem:s0+$0xC010];
	_ =	sdelay $0x3  }
0xeb: {  	s2 =	sor.u32 $0x4010, s0;
	v1 =	vld [tilespmem:s0+$0xC000]  }
0xec: {  	[tilespmem:s2+$0x0] =	vst.add.f32.msk $0xffff, v0  }
0xed: {  	v0 =	vld [tilespmem:s0+$0xC090];
	_ =	sdelay $0x1  }
0xee: {  	s14 =	sor.u32 $0x4000, s0  }
0xef: {  	[tilespmem:s14+$0x0] =	vst.add.f32.msk $0xffff, v1  }
0xf0: {  	s13 =	sor.u32 $0x4090, s0;
	v1 =	vld [tilespmem:s0+$0xC080]  }
0xf1: {  	[tilespmem:s13+$0x0] =	vst.add.f32.msk $0xffff, v0  }
0xf2: {  	v0 =	vld [tilespmem:s0+$0xC110];
	_ =	sdelay $0x1  }
0xf3: {  	s16 =	sor.u32 $0x4080, s0  }
0xf4: {  	[tilespmem:s16+$0x0] =	vst.add.f32.msk $0xffff, v1  }
0xf5: {  	s15 =	sor.u32 $0x4110, s0;
	v1 =	vld [tilespmem:s0+$0xC100]  }
0xf6: {  	[tilespmem:s15+$0x0] =	vst.add.f32.msk $0xffff, v0  }
0xf7: {  	v0 =	vld [tilespmem:s0+$0xC190];
	_ =	sdelay $0x1  }
0xf8: {  	s18 =	sor.u32 $0x4100, s0  }
0xf9: {  	[tilespmem:s18+$0x0] =	vst.add.f32.msk $0xffff, v1  }
0xfa: {  	s17 =	sor.u32 $0x4190, s0;
	v1 =	vld [tilespmem:s0+$0xC180]  }
0xfb: {  	[tilespmem:s17+$0x0] =	vst.add.f32.msk $0xffff, v0  }
0xfc: {  	v0 =	vld [tilespmem:s0+$0xC210];
	_ =	sdelay $0x1  }
0xfd: {  	s21 =	sor.u32 $0x4180, s0  }
0xfe: {  	[tilespmem:s21+$0x0] =	vst.add.f32.msk $0xffff, v1  }
0xff: {  	s20 =	sor.u32 $0x4210, s0;
	v1 =	vld [tilespmem:s0+$0xC200]  }
0x100: {  	[tilespmem:s20+$0x0] =	vst.add.f32.msk $0xffff, v0  }
0x101: {  	v0 =	vld [tilespmem:s0+$0xC290]  }
0x102: {  	s22 =	sand.u32 $0x3, s1  }
0x103: {  	s4 =	sor.u32 $0x4200, s0;
	s2 =	sshll.u32 s22, $0x5  }
0x104: {  	s2 =	sadd.s32 $0x0, s2;
	[tilespmem:s4+$0x0] =	vst.add.f32.msk $0xffff, v1  }
0x105: {  	s23 =	sor.u32 $0x4290, s0;
	s7 =	sadd.s32 $0x10, s2;
	v1 =	vld [tilespmem:s0+$0xC280]  }
0x106: {  	s24 =	sor.u32 $0x300, s7;
	[tilespmem:s23+$0x0] =	vst.add.f32.msk $0xffff, v0  }
0x107: {  	v0 =	vld [tilespmem:s24+$0xC000];
	_ =	sdelay $0x1  }
0x108: {  	s26 =	sor.u32 $0x4280, s0  }
0x109: {  	s5 =	sor.u32 $0x300, s2;
	[tilespmem:s26+$0x0] =	vst.add.f32.msk $0xffff, v1  }
0x10a: {  	v1 =	vld [tilespmem:s5+$0xC000]  }
0x10b: {  	s25 =	sor.u32 $0x380, s7;
	[tilespmem:s24+$0x4000] =	vst.add.f32.msk $0xffff, v0  }
0x10c: {  	v0 =	vld [tilespmem:s25+$0xC000];
	_ =	sdelay $0x1  }
0x10d: {  	s4 =	sor.u32 s1, s1  }
0x10e: {  	s1 =	sor.u32 $0x380, s4;
	[tilespmem:s5+$0x4000] =	vst.add.f32.msk $0xffff, v1  }
0x10f: {  	v1 =	vld [tilespmem:s1+$0xC000]  }
0x110: {  	[tilespmem:s25+$0x4000] =	vst.add.f32.msk $0xffff, v0  }
0x111: {  	v0 =	vld [tilespmem:s0+$0xE010];
	_ =	sdelay $0x2  }
0x112: {  	[tilespmem:s1+$0x4000] =	vst.add.f32.msk $0xffff, v1  }
0x113: {  	s6 =	sor.u32 $0x6010, s0;
	v1 =	vld [tilespmem:s0+$0xE000]  }
0x114: {  	[tilespmem:s6+$0x0] =	vst.add.f32.msk $0xffff, v0  }
0x115: {  	v0 =	vld [tilespmem:s0+$0xE090];
	_ =	sdelay $0x1  }
0x116: {  	s9 =	sor.u32 $0x6000, s0  }
0x117: {  	[tilespmem:s9+$0x0] =	vst.add.f32.msk $0xffff, v1  }
0x118: {  	s8 =	sor.u32 $0x6090, s0;
	v1 =	vld [tilespmem:s0+$0xE080]  }
0x119: {  	s5 =	simm.s32 $0x100;
	s6 =	simm.s32 $0x20;
	[tilespmem:s8+$0x0] =	vst.add.f32.msk $0xffff, v0  }
0x11a: {  	s11 =	sand.u32 $0x1C00, s5;
	s10 =	sand.u32 $0x60, s6;
	v0 =	vld [tilespmem:s0+$0xE110]  }
0x11b: {  	s22 =	sor.u32 s10, s11  }
0x11c: {  	s13 =	sor.u32 $0x6080, s0;
	v2 =	vld [tilespmem:s22+$0xC010]  }
0x11d: {  	[tilespmem:s13+$0x0] =	vst.add.f32.msk $0xffff, v1  }
0x11e: {  	s12 =	sor.u32 $0x6110, s0;
	v1 =	vld [tilespmem:s22+$0xC000]  }
0x11f: {  	[tilespmem:s12+$0x0] =	vst.add.f32.msk $0xffff, v0  }
0x120: {  	s14 =	sor.u32 $0x4010, s22;
	v0 =	vld [tilespmem:s0+$0xE190]  }
0x121: {  	[tilespmem:s14+$0x0] =	vst.add.f32.msk $0xffff, v2  }
0x122: {  	s16 =	sor.u32 $0x4000, s22;
	v2 =	vld [tilespmem:s22+$0xC090]  }
0x123: {  	[tilespmem:s16+$0x0] =	vst.add.f32.msk $0xffff, v1  }
0x124: {  	s15 =	sor.u32 $0x6190, s0;
	v1 =	vld [tilespmem:s22+$0xC080]  }
0x125: {  	[tilespmem:s15+$0x0] =	vst.add.f32.msk $0xffff, v0  }
0x126: {  	s17 =	sor.u32 $0x4090, s22;
	v0 =	vld [tilespmem:s0+$0xE210]  }
0x127: {  	[tilespmem:s17+$0x0] =	vst.add.f32.msk $0xffff, v2  }
0x128: {  	s20 =	sor.u32 $0x4080, s22;
	v2 =	vld [tilespmem:s22+$0xC110]  }
0x129: {  	[tilespmem:s20+$0x0] =	vst.add.f32.msk $0xffff, v1  }
0x12a: {  	s18 =	sor.u32 $0x6210, s0;
	v1 =	vld [tilespmem:s22+$0xC100]  }
0x12b: {  	[tilespmem:s18+$0x0] =	vst.add.f32.msk $0xffff, v0  }
0x12c: {  	s21 =	sor.u32 $0x4110, s22;
	v0 =	vld [tilespmem:s0+$0xE290]  }
0x12d: {  	[tilespmem:s21+$0x0] =	vst.add.f32.msk $0xffff, v2  }
0x12e: {  	s3 =	sor.u32 $0x4100, s22;
	v2 =	vld [tilespmem:s22+$0xC190]  }
0x12f: {  	[tilespmem:s3+$0x0] =	vst.add.f32.msk $0xffff, v1  }
0x130: {  	s23 =	sor.u32 $0x6290, s0;
	v1 =	vld [tilespmem:s22+$0xC180]  }
0x131: {  	s24 =	sor.u32 $0x2300, s7;
	[tilespmem:s23+$0x0] =	vst.add.f32.msk $0xffff, v0  }
0x132: {  	s25 =	sor.u32 $0x4190, s22;
	v0 =	vld [tilespmem:s24+$0xC000]  }
0x133: {  	[tilespmem:s25+$0x0] =	vst.add.f32.msk $0xffff, v2  }
0x134: {  	s26 =	sor.u32 $0x2380, s7;
	s7 =	sor.u32 $0x4180, s22;
	v2 =	vld [tilespmem:s22+$0xC210]  }
0x135: {  	[tilespmem:s7+$0x0] =	vst.add.f32.msk $0xffff, v1  }
0x136: {  	v1 =	vld [tilespmem:s22+$0xC200]  }
0x137: {  	[tilespmem:s24+$0x4000] =	vst.add.f32.msk $0xffff, v0  }
0x138: {  	s8 =	sor.u32 $0x4210, s22;
	v0 =	vld [tilespmem:s26+$0xC000]  }
0x139: {  	[tilespmem:s8+$0x0] =	vst.add.f32.msk $0xffff, v2  }
0x13a: {  	s23 =	simm.s32 $0x1;
	v2 =	vld [tilespmem:s22+$0xC290]  }
0x13b: {  	s10 =	sor.u32 $0x4200, s22;
	v3 =	vld [tilespmem:s0+$0xE100];
	s9 =	sand.u32 $0x3, s23  }
0x13c: {  	s11 =	sshll.u32 s9, $0x5;
	[tilespmem:s10+$0x0] =	vst.add.f32.msk $0xffff, v1  }
0x13d: {  	s1 =	sadd.s32 $0x100, s11;
	[tilespmem:s26+$0x4000] =	vst.add.f32.msk $0xffff, v0  }
0x13e: {  	s12 =	sor.u32 $0x4290, s22;
	s24 =	sadd.s32 $0x10, s1;
	v0 =	vld [tilespmem:s22+$0xC280]  }
0x13f: {  	s13 =	sor.u32 $0x300, s24;
	[tilespmem:s12+$0x0] =	vst.add.f32.msk $0xffff, v2  }
0x140: {  	s14 =	sor.u32 $0x6100, s0;
	v1 =	vld [tilespmem:s13+$0xC000]  }
0x141: {  	[tilespmem:s14+$0x0] =	vst.add.f32.msk $0xffff, v3  }
0x142: {  	s15 =	sor.u32 $0x4280, s22;
	v2 =	vld [tilespmem:s0+$0xE180]  }
0x143: {  	s8 =	sor.u32 $0x300, s1;
	[tilespmem:s15+$0x0] =	vst.add.f32.msk $0xffff, v0  }
0x144: {  	v0 =	vld [tilespmem:s8+$0xC000]  }
0x145: {  	s16 =	sor.u32 $0x380, s24;
	[tilespmem:s13+$0x4000] =	vst.add.f32.msk $0xffff, v1  }
0x146: {  	s17 =	sor.u32 $0x6180, s0;
	v1 =	vld [tilespmem:s16+$0xC000]  }
0x147: {  	[tilespmem:s17+$0x0] =	vst.add.f32.msk $0xffff, v2  }
0x148: {  	s5 =	sor.u32 s6, s5;
	v2 =	vld [tilespmem:s0+$0xE200]  }
0x149: {  	s6 =	sor.u32 $0x380, s5;
	[tilespmem:s8+$0x4000] =	vst.add.f32.msk $0xffff, v0  }
0x14a: {  	v0 =	vld [tilespmem:s6+$0xC000]  }
0x14b: {  	[tilespmem:s16+$0x4000] =	vst.add.f32.msk $0xffff, v1  }
0x14c: {  	s18 =	sor.u32 $0x6200, s0;
	v1 =	vld [tilespmem:s22+$0xE010]  }
0x14d: {  	[tilespmem:s18+$0x0] =	vst.add.f32.msk $0xffff, v2  }
0x14e: {  	v2 =	vld [tilespmem:s0+$0xE280]  }
0x14f: {  	[tilespmem:s6+$0x4000] =	vst.add.f32.msk $0xffff, v0  }
0x150: {  	s20 =	sor.u32 $0x6010, s22;
	v0 =	vld [tilespmem:s22+$0xE000]  }
0x151: {  	[tilespmem:s20+$0x0] =	vst.add.f32.msk $0xffff, v1  }
0x152: {  	s0 =	sor.u32 $0x6280, s0;
	v1 =	vld [tilespmem:s22+$0xE090]  }
0x153: {  	s21 =	sor.u32 $0x2300, s2;
	[tilespmem:s0+$0x0] =	vst.add.f32.msk $0xffff, v2  }
0x154: {  	s25 =	sor.u32 $0x6000, s22;
	v2 =	vld [tilespmem:s21+$0xC000]  }
0x155: {  	[tilespmem:s25+$0x0] =	vst.add.f32.msk $0xffff, v0  }
0x156: {  	s31 =	sor.u32 $0x6180, s22;
	s30 =	sor.u32 $0x6200, s22;
	s26 =	sor.u32 $0x6090, s22;
	v0 =	vld [tilespmem:s22+$0xE080]  }
0x157: {  	s29 =	sor.u32 $0x6280, s22;
	s2 =	sor.u32 $0x6080, s22;
	s7 =	simm.s32 $0x200;
	[tilespmem:s26+$0x0] =	vst.add.f32.msk $0xffff, v1  }
0x158: {  	s28 =	sor.u32 $0x2300, s1;
	s18 =	simm.s32 $0x40;
	s0 =	sor.u32 $0x6100, s22;
	v1 =	vld [tilespmem:s22+$0xE110]  }
0x159: {  	[tilespmem:s21+$0x4000] =	vst.add.f32.msk $0xffff, v2;
	s26 =	sor.u32 $0x2380, s5;
	s25 =	sor.u32 $0x2380, s4;
	s4 =	simm.s32 $0x2  }
.LBB2_5:
0x15a: {  	s1 =	sand.u32 $0x60, s18;
	s3 =	sand.u32 $0x1C00, s7;
	s4 =	sadd.s32 $0x2, s4;
	v2 =	vld [tilespmem:s25+$0xC000]  }
0x15b: {  	s5 =	sor.u32 s1, s3;
	s3 =	sor.u32 s18, s7;
	p1 =	slt.u32 s4, $0x3E;
	[tilespmem:s2+$0x0] =	vst.add.f32.msk $0xffff, v0  }
0x15c: {  	s2 =	sor.u32 $0x6110, s22;
	s11 =	sor.u32 $0x4000, s5;
	s14 =	sor.u32 $0x4080, s5;
	v0 =	vld [tilespmem:s5+$0xC010]  }
0x15d: {  	s20 =	sor.u32 $0x4100, s5;
	s1 =	sor.u32 $0x4180, s5;
	s15 =	sor.u32 $0x4200, s5;
	[tilespmem:s2+$0x0] =	vst.add.f32.msk $0xffff, v1  }
0x15e: {  	s13 =	sor.u32 $0x4280, s5;
	s6 =	sor.u32 $0x380, s3;
	s8 =	sor.u32 $0x6000, s5;
	v1 =	vld [tilespmem:s22+$0xE190]  }
0x15f: {  	s17 =	sor.u32 $0x6100, s5;
	s9 =	sor.u32 $0x6180, s5;
	s2 =	sor.u32 $0x6080, s5;
	v3 =	vld [tilespmem:s5+$0xC000]  }
0x160: {  	s12 =	sor.u32 $0x6200, s5;
	s10 =	sor.u32 $0x6280, s5;
	s21 =	sor.u32 $0x4010, s5;
	v4 =	vld [tilespmem:s22+$0xE100]  }
0x161: {  	s16 =	sor.u32 $0x2380, s3;
	[tilespmem:s21+$0x0] =	vst.add.f32.msk $0xffff, v0  }
0x162: {  	s3 =	sor.u32 $0x6190, s22;
	v0 =	vld [tilespmem:s5+$0xC090]  }
0x163: {  	[tilespmem:s3+$0x0] =	vst.add.f32.msk $0xffff, v1  }
0x164: {  	v1 =	vld [tilespmem:s22+$0xE210]  }
0x165: {  	[tilespmem:s11+$0x0] =	vst.add.f32.msk $0xffff, v3  }
0x166: {  	s3 =	sor.u32 $0x4090, s5;
	v3 =	vld [tilespmem:s5+$0xC080]  }
0x167: {  	[tilespmem:s3+$0x0] =	vst.add.f32.msk $0xffff, v0  }
0x168: {  	s3 =	sor.u32 $0x6210, s22;
	v0 =	vld [tilespmem:s5+$0xC110]  }
0x169: {  	[tilespmem:s3+$0x0] =	vst.add.f32.msk $0xffff, v1  }
0x16a: {  	v1 =	vld [tilespmem:s22+$0xE290]  }
0x16b: {  	[tilespmem:s14+$0x0] =	vst.add.f32.msk $0xffff, v3  }
0x16c: {  	s3 =	sor.u32 $0x4110, s5;
	v3 =	vld [tilespmem:s5+$0xC100]  }
0x16d: {  	[tilespmem:s3+$0x0] =	vst.add.f32.msk $0xffff, v0  }
0x16e: {  	s3 =	sor.u32 $0x6290, s22;
	v0 =	vld [tilespmem:s5+$0xC190]  }
0x16f: {  	[tilespmem:s3+$0x0] =	vst.add.f32.msk $0xffff, v1;
	s3 =	sor.u32 $0x2300, s24  }
0x170: {  	v1 =	vld [tilespmem:s3+$0xC000]  }
0x171: {  	[tilespmem:s20+$0x0] =	vst.add.f32.msk $0xffff, v3  }
0x172: {  	s11 =	sor.u32 $0x4190, s5;
	v3 =	vld [tilespmem:s5+$0xC180]  }
0x173: {  	[tilespmem:s11+$0x0] =	vst.add.f32.msk $0xffff, v0  }
0x174: {  	v0 =	vld [tilespmem:s5+$0xC210]  }
0x175: {  	[tilespmem:s3+$0x4000] =	vst.add.f32.msk $0xffff, v1;
	s3 =	sor.u32 $0x2380, s24  }
0x176: {  	v1 =	vld [tilespmem:s3+$0xC000]  }
0x177: {  	[tilespmem:s1+$0x0] =	vst.add.f32.msk $0xffff, v3  }
0x178: {  	s1 =	sor.u32 $0x4210, s5;
	v3 =	vld [tilespmem:s5+$0xC200]  }
0x179: {  	[tilespmem:s1+$0x0] =	vst.add.f32.msk $0xffff, v0  }
0x17a: {  	s23 =	sadd.s32 $0x1, s23;
	v0 =	vld [tilespmem:s5+$0xC290]  }
0x17b: {  	s1 =	sand.u32 $0x3, s23;
	[tilespmem:s3+$0x4000] =	vst.add.f32.msk $0xffff, v1  }
0x17c: {  	s1 =	sshll.u32 s1, $0x5;
	[tilespmem:s0+$0x0] =	vst.add.f32.msk $0xffff, v4;
	s0 =	smov.u32 s17  }
0x17d: {  	s1 =	sadd.s32 s1, s7;
	[tilespmem:s15+$0x0] =	vst.add.f32.msk $0xffff, v3  }
0x17e: {  	s11 =	sor.u32 $0x4290, s5;
	s3 =	sor.u32 $0x300, s1;
	s24 =	sadd.s32 $0x10, s1;
	v1 =	vld [tilespmem:s5+$0xC280]  }
0x17f: {  	s1 =	sor.u32 $0x2300, s1;
	[tilespmem:s11+$0x0] =	vst.add.f32.msk $0xffff, v0;
	s11 =	sor.u32 $0x300, s24  }
0x180: {  	v0 =	vld [tilespmem:s11+$0xC000]  }
0x181: {  	v3 =	vld [tilespmem:s22+$0xE180]  }
0x182: {  	[tilespmem:s25+$0x4000] =	vst.add.f32.msk $0xffff, v2;
	s25 =	smov.u32 s26;
	s26 =	smov.u32 s16  }
0x183: {  	[tilespmem:s13+$0x0] =	vst.add.f32.msk $0xffff, v1  }
0x184: {  	v1 =	vld [tilespmem:s3+$0xC000]  }
0x185: {  	[tilespmem:s11+$0x4000] =	vst.add.f32.msk $0xffff, v0;
	s11 =	sor.u32 $0x380, s24  }
0x186: {  	v0 =	vld [tilespmem:s11+$0xC000]  }
0x187: {  	[tilespmem:s31+$0x0] =	vst.add.f32.msk $0xffff, v3;
	s31 =	smov.u32 s9  }
0x188: {  	v2 =	vld [tilespmem:s22+$0xE200]  }
0x189: {  	[tilespmem:s3+$0x4000] =	vst.add.f32.msk $0xffff, v1  }
0x18a: {  	v1 =	vld [tilespmem:s6+$0xC000]  }
0x18b: {  	[tilespmem:s11+$0x4000] =	vst.add.f32.msk $0xffff, v0  }
0x18c: {  	v0 =	vld [tilespmem:s5+$0xE010]  }
0x18d: {  	[tilespmem:s30+$0x0] =	vst.add.f32.msk $0xffff, v2;
	s30 =	smov.u32 s12  }
0x18e: {  	v2 =	vld [tilespmem:s22+$0xE280];
	s22 =	smov.u32 s5  }
0x18f: {  	[tilespmem:s6+$0x4000] =	vst.add.f32.msk $0xffff, v1  }
0x190: {  	s3 =	sor.u32 $0x6010, s22;
	v1 =	vld [tilespmem:s22+$0xE000]  }
0x191: {  	[tilespmem:s3+$0x0] =	vst.add.f32.msk $0xffff, v0  }
0x192: {  	v3 =	vld [tilespmem:s22+$0xE090]  }
0x193: {  	[tilespmem:s29+$0x0] =	vst.add.f32.msk $0xffff, v2;
	s29 =	smov.u32 s10  }
0x194: {  	v2 =	vld [tilespmem:s28+$0xC000]  }
.Ltmp1:
0x195: {  	[tilespmem:s8+$0x0] =	vst.add.f32.msk $0xffff, v1;
	(pc) =	sbr.rel @p1 .LBB2_5-.Ltmp1, $4  }
0x196: {  	s3 =	sor.u32 $0x6090, s22;
	v0 =	vld [tilespmem:s22+$0xE080]  }
0x197: {  	[tilespmem:s3+$0x0] =	vst.add.f32.msk $0xffff, v3  }
0x198: {  	v1 =	vld [tilespmem:s22+$0xE110]  }
0x199: {  	s18 =	sadd.s32 $0x20, s18;
	s7 =	sadd.s32 $0x100, s7;
	[tilespmem:s28+$0x4000] =	vst.add.f32.msk $0xffff, v2;
	s28 =	smov.u32 s1  }
0x19a: {  	_ = 	snop  }
0x19b: {  	[tilespmem:s2+$0x0] =	vst.add.f32.msk $0xffff, v0  }
0x19c: {  	v0 =	vld [tilespmem:s22+$0xE100];
	_ =	sdelay $0x1  }
0x19d: {  	s1 =	sor.u32 $0x6110, s22  }
0x19e: {  	[tilespmem:s1+$0x0] =	vst.add.f32.msk $0xffff, v1  }
0x19f: {  	v1 =	vld [tilespmem:s22+$0xE190]  }
0x1a0: {  	[tilespmem:s0+$0x0] =	vst.add.f32.msk $0xffff, v0  }
0x1a1: {  	v0 =	vld [tilespmem:s22+$0xE180];
	_ =	sdelay $0x1  }
0x1a2: {  	s3 =	sor.u32 $0x6190, s22  }
0x1a3: {  	[tilespmem:s3+$0x0] =	vst.add.f32.msk $0xffff, v1  }
0x1a4: {  	v1 =	vld [tilespmem:s22+$0xE210]  }
0x1a5: {  	[tilespmem:s31+$0x0] =	vst.add.f32.msk $0xffff, v0  }
0x1a6: {  	v0 =	vld [tilespmem:s22+$0xE200];
	_ =	sdelay $0x1  }
0x1a7: {  	s4 =	sor.u32 $0x6210, s22  }
0x1a8: {  	[tilespmem:s4+$0x0] =	vst.add.f32.msk $0xffff, v1  }
0x1a9: {  	v1 =	vld [tilespmem:s22+$0xE290]  }
0x1aa: {  	[tilespmem:s30+$0x0] =	vst.add.f32.msk $0xffff, v0  }
0x1ab: {  	v0 =	vld [tilespmem:s22+$0xE280];
	_ =	sdelay $0x1  }
0x1ac: {  	s5 =	sor.u32 $0x6290, s22  }
0x1ad: {  	s6 =	sor.u32 $0x2300, s24;
	[tilespmem:s5+$0x0] =	vst.add.f32.msk $0xffff, v1  }
0x1ae: {  	v1 =	vld [tilespmem:s6+$0xC000]  }
0x1af: {  	[tilespmem:s29+$0x0] =	vst.add.f32.msk $0xffff, v0  }
0x1b0: {  	v0 =	vld [tilespmem:s28+$0xC000];
	_ =	sdelay $0x1  }
0x1b1: {  	v2 =	vld [tilespmem:s25+$0xC000]  }
0x1b2: {  	s7 =	sor.u32 $0x2380, s24;
	[tilespmem:s6+$0x4000] =	vst.add.f32.msk $0xffff, v1  }
0x1b3: {  	v1 =	vld [tilespmem:s7+$0xC000]  }
0x1b4: {  	[tilespmem:s28+$0x4000] =	vst.add.f32.msk $0xffff, v0  }
0x1b5: {  	v0 =	vld [tilespmem:s26+$0xC000];
	_ =	sdelay $0x2  }
0x1b6: {  	[tilespmem:s25+$0x4000] =	vst.add.f32.msk $0xffff, v2  }
0x1b7: {  	[tilespmem:s7+$0x4000] =	vst.add.f32.msk $0xffff, v1  }
0x1b8: {  	s8 =	rddreg [dreg:$0x2];
	[tilespmem:s26+$0x4000] =	vst.add.f32.msk $0xffff, v0  }
0x1b9: {  	s9 =	simm.s32 $0x0;
	s1 =	rddreg [dreg:$0x8]  }
0x1ba: {  	s10 =	simm.s32 $0x4000;
	s11 =	simm.s32 $0x4;
	s0 =	sadd.s32 s8, s1  }
0x1bb: {  	[hbm4b:s0+s9] =	stream.linear.scatter [tilespmem:s10], [sflag:$0x5], $0x4000, $0x38;
	[tilespmem:$0x10000] =	vst v63  }
0x1bc: {  	_ =	swait.ge [sflag:s11], $0x4000  }
0x1bd: {  	[sflag:s11] =	ssyncset.done $0x0  }
0x1be: {  	[sflag:s11] =	ssyncadd.s32 $0xFFFFC000  }
0x1bf: {  	s19 =	sor.u32 $0x300000, s19;
	s0 =	rddreg [dreg:$0x0]  }
0x1c0: {  	s3 =	simm.s32 $0x3;
	s0 =	sadd.s32 s0, s19  }
0x1c1: {  	[tilespmem:s9], [sflag:$0x1] =	stream.linear.gather [hbm4b:s0+s9], $0x4000, $0x38;
	[tilespmem:$0x10000] =	vst v63  }
0x1c2: {  	_ =	swait.ge [sflag:s3], $0x4000  }
0x1c3: {  	s12 =	sand.u32 $0x60, s9;
	s13 =	sand.u32 $0x1C00, s9;
	[sflag:s3] =	ssyncset.done $0x0  }
0x1c4: {  	s0 =	sor.u32 s12, s13;
	[sflag:s3] =	ssyncadd.s32 $0xFFFFC000  }
0x1c5: {  	v0 =	vld [tilespmem:s0+$0xC010];
	_ =	sdelay $0x3  }
0x1c6: {  	s2 =	sor.u32 $0x8010, s0;
	v1 =	vld [tilespmem:s0+$0xC000]  }
0x1c7: {  	[tilespmem:s2+$0x0] =	vst.add.f32.msk $0xffff, v0  }
0x1c8: {  	v0 =	vld [tilespmem:s0+$0xC090];
	_ =	sdelay $0x1  }
0x1c9: {  	s15 =	sor.u32 $0x8000, s0  }
0x1ca: {  	[tilespmem:s15+$0x0] =	vst.add.f32.msk $0xffff, v1  }
0x1cb: {  	s14 =	sor.u32 $0x8090, s0;
	v1 =	vld [tilespmem:s0+$0xC080]  }
0x1cc: {  	[tilespmem:s14+$0x0] =	vst.add.f32.msk $0xffff, v0  }
0x1cd: {  	v0 =	vld [tilespmem:s0+$0xC110];
	_ =	sdelay $0x1  }
0x1ce: {  	s17 =	sor.u32 $0x8080, s0  }
0x1cf: {  	[tilespmem:s17+$0x0] =	vst.add.f32.msk $0xffff, v1  }
0x1d0: {  	s16 =	sor.u32 $0x8110, s0;
	v1 =	vld [tilespmem:s0+$0xC100]  }
0x1d1: {  	[tilespmem:s16+$0x0] =	vst.add.f32.msk $0xffff, v0  }
0x1d2: {  	v0 =	vld [tilespmem:s0+$0xC190];
	_ =	sdelay $0x1  }
0x1d3: {  	s20 =	sor.u32 $0x8100, s0  }
0x1d4: {  	[tilespmem:s20+$0x0] =	vst.add.f32.msk $0xffff, v1  }
0x1d5: {  	s18 =	sor.u32 $0x8190, s0;
	v1 =	vld [tilespmem:s0+$0xC180]  }
0x1d6: {  	[tilespmem:s18+$0x0] =	vst.add.f32.msk $0xffff, v0  }
0x1d7: {  	v0 =	vld [tilespmem:s0+$0xC210];
	_ =	sdelay $0x1  }
0x1d8: {  	s22 =	sor.u32 $0x8180, s0  }
0x1d9: {  	[tilespmem:s22+$0x0] =	vst.add.f32.msk $0xffff, v1  }
0x1da: {  	s21 =	sor.u32 $0x8210, s0;
	v1 =	vld [tilespmem:s0+$0xC200]  }
0x1db: {  	[tilespmem:s21+$0x0] =	vst.add.f32.msk $0xffff, v0  }
0x1dc: {  	v0 =	vld [tilespmem:s0+$0xC290]  }
0x1dd: {  	s23 =	sand.u32 $0x3, s9  }
0x1de: {  	s4 =	sor.u32 $0x8200, s0;
	s2 =	sshll.u32 s23, $0x5  }
0x1df: {  	s2 =	sadd.s32 $0x0, s2;
	[tilespmem:s4+$0x0] =	vst.add.f32.msk $0xffff, v1  }
0x1e0: {  	s24 =	sor.u32 $0x8290, s0;
	s7 =	sadd.s32 $0x10, s2;
	v1 =	vld [tilespmem:s0+$0xC280]  }
0x1e1: {  	s25 =	sor.u32 $0x300, s7;
	[tilespmem:s24+$0x0] =	vst.add.f32.msk $0xffff, v0  }
0x1e2: {  	v0 =	vld [tilespmem:s25+$0xC000];
	_ =	sdelay $0x1  }
0x1e3: {  	s31 =	sor.u32 $0x8280, s0  }
0x1e4: {  	s5 =	sor.u32 $0x300, s2;
	[tilespmem:s31+$0x0] =	vst.add.f32.msk $0xffff, v1  }
0x1e5: {  	v1 =	vld [tilespmem:s5+$0xC000]  }
0x1e6: {  	s26 =	sor.u32 $0x380, s7;
	[tilespmem:s25+$0x8000] =	vst.add.f32.msk $0xffff, v0  }
0x1e7: {  	v0 =	vld [tilespmem:s26+$0xC000];
	_ =	sdelay $0x1  }
0x1e8: {  	s4 =	sor.u32 s9, s9  }
0x1e9: {  	s1 =	sor.u32 $0x380, s4;
	[tilespmem:s5+$0x8000] =	vst.add.f32.msk $0xffff, v1  }
0x1ea: {  	v1 =	vld [tilespmem:s1+$0xC000]  }
0x1eb: {  	[tilespmem:s26+$0x8000] =	vst.add.f32.msk $0xffff, v0  }
0x1ec: {  	v0 =	vld [tilespmem:s0+$0xE010];
	_ =	sdelay $0x2  }
0x1ed: {  	[tilespmem:s1+$0x8000] =	vst.add.f32.msk $0xffff, v1  }
0x1ee: {  	s6 =	sor.u32 $0xA010, s0;
	v1 =	vld [tilespmem:s0+$0xE000]  }
0x1ef: {  	[tilespmem:s6+$0x0] =	vst.add.f32.msk $0xffff, v0  }
0x1f0: {  	v0 =	vld [tilespmem:s0+$0xE090];
	_ =	sdelay $0x1  }
0x1f1: {  	s9 =	sor.u32 $0xA000, s0  }
0x1f2: {  	[tilespmem:s9+$0x0] =	vst.add.f32.msk $0xffff, v1  }
0x1f3: {  	s8 =	sor.u32 $0xA090, s0;
	v1 =	vld [tilespmem:s0+$0xE080]  }
0x1f4: {  	s5 =	simm.s32 $0x100;
	s6 =	simm.s32 $0x20;
	[tilespmem:s8+$0x0] =	vst.add.f32.msk $0xffff, v0  }
0x1f5: {  	s11 =	sand.u32 $0x1C00, s5;
	s10 =	sand.u32 $0x60, s6;
	v0 =	vld [tilespmem:s0+$0xE110]  }
0x1f6: {  	s21 =	sor.u32 s10, s11  }
0x1f7: {  	s13 =	sor.u32 $0xA080, s0;
	v2 =	vld [tilespmem:s21+$0xC010]  }
0x1f8: {  	[tilespmem:s13+$0x0] =	vst.add.f32.msk $0xffff, v1  }
0x1f9: {  	s12 =	sor.u32 $0xA110, s0;
	v1 =	vld [tilespmem:s21+$0xC000]  }
0x1fa: {  	[tilespmem:s12+$0x0] =	vst.add.f32.msk $0xffff, v0  }
0x1fb: {  	s14 =	sor.u32 $0x8010, s21;
	v0 =	vld [tilespmem:s0+$0xE190]  }
0x1fc: {  	[tilespmem:s14+$0x0] =	vst.add.f32.msk $0xffff, v2  }
0x1fd: {  	s16 =	sor.u32 $0x8000, s21;
	v2 =	vld [tilespmem:s21+$0xC090]  }
0x1fe: {  	[tilespmem:s16+$0x0] =	vst.add.f32.msk $0xffff, v1  }
0x1ff: {  	s15 =	sor.u32 $0xA190, s0;
	v1 =	vld [tilespmem:s21+$0xC080]  }
0x200: {  	[tilespmem:s15+$0x0] =	vst.add.f32.msk $0xffff, v0  }
0x201: {  	s17 =	sor.u32 $0x8090, s21;
	v0 =	vld [tilespmem:s0+$0xE210]  }
0x202: {  	[tilespmem:s17+$0x0] =	vst.add.f32.msk $0xffff, v2  }
0x203: {  	s20 =	sor.u32 $0x8080, s21;
	v2 =	vld [tilespmem:s21+$0xC110]  }
0x204: {  	[tilespmem:s20+$0x0] =	vst.add.f32.msk $0xffff, v1  }
0x205: {  	s18 =	sor.u32 $0xA210, s0;
	v1 =	vld [tilespmem:s21+$0xC100]  }
0x206: {  	[tilespmem:s18+$0x0] =	vst.add.f32.msk $0xffff, v0  }
0x207: {  	s22 =	sor.u32 $0x8110, s21;
	v0 =	vld [tilespmem:s0+$0xE290]  }
0x208: {  	[tilespmem:s22+$0x0] =	vst.add.f32.msk $0xffff, v2  }
0x209: {  	s3 =	sor.u32 $0x8100, s21;
	v2 =	vld [tilespmem:s21+$0xC190]  }
0x20a: {  	[tilespmem:s3+$0x0] =	vst.add.f32.msk $0xffff, v1  }
0x20b: {  	s23 =	sor.u32 $0xA290, s0;
	v1 =	vld [tilespmem:s21+$0xC180]  }
0x20c: {  	s24 =	sor.u32 $0x2300, s7;
	[tilespmem:s23+$0x0] =	vst.add.f32.msk $0xffff, v0  }
0x20d: {  	s25 =	sor.u32 $0x8190, s21;
	v0 =	vld [tilespmem:s24+$0xC000]  }
0x20e: {  	[tilespmem:s25+$0x0] =	vst.add.f32.msk $0xffff, v2  }
0x20f: {  	s31 =	sor.u32 $0x8180, s21;
	v2 =	vld [tilespmem:s21+$0xC210]  }
0x210: {  	[tilespmem:s31+$0x0] =	vst.add.f32.msk $0xffff, v1  }
0x211: {  	v1 =	vld [tilespmem:s21+$0xC200]  }
0x212: {  	s26 =	sor.u32 $0x2380, s7;
	[tilespmem:s24+$0x8000] =	vst.add.f32.msk $0xffff, v0  }
0x213: {  	s7 =	sor.u32 $0x8210, s21;
	v0 =	vld [tilespmem:s26+$0xC000]  }
0x214: {  	[tilespmem:s7+$0x0] =	vst.add.f32.msk $0xffff, v2  }
0x215: {  	s22 =	simm.s32 $0x1;
	v2 =	vld [tilespmem:s21+$0xC290]  }
0x216: {  	s9 =	sor.u32 $0x8200, s21;
	v3 =	vld [tilespmem:s0+$0xE100];
	s8 =	sand.u32 $0x3, s22  }
0x217: {  	s10 =	sshll.u32 s8, $0x5;
	[tilespmem:s9+$0x0] =	vst.add.f32.msk $0xffff, v1  }
0x218: {  	s1 =	sadd.s32 $0x100, s10;
	[tilespmem:s26+$0x8000] =	vst.add.f32.msk $0xffff, v0  }
0x219: {  	s11 =	sor.u32 $0x8290, s21;
	s23 =	sadd.s32 $0x10, s1;
	v0 =	vld [tilespmem:s21+$0xC280]  }
0x21a: {  	s12 =	sor.u32 $0x300, s23;
	[tilespmem:s11+$0x0] =	vst.add.f32.msk $0xffff, v2  }
0x21b: {  	s13 =	sor.u32 $0xA100, s0;
	v1 =	vld [tilespmem:s12+$0xC000]  }
0x21c: {  	[tilespmem:s13+$0x0] =	vst.add.f32.msk $0xffff, v3  }
0x21d: {  	s14 =	sor.u32 $0x8280, s21;
	v2 =	vld [tilespmem:s0+$0xE180]  }
0x21e: {  	s8 =	sor.u32 $0x300, s1;
	[tilespmem:s14+$0x0] =	vst.add.f32.msk $0xffff, v0  }
0x21f: {  	v0 =	vld [tilespmem:s8+$0xC000]  }
0x220: {  	s15 =	sor.u32 $0x380, s23;
	[tilespmem:s12+$0x8000] =	vst.add.f32.msk $0xffff, v1  }
0x221: {  	s16 =	sor.u32 $0xA180, s0;
	v1 =	vld [tilespmem:s15+$0xC000]  }
0x222: {  	[tilespmem:s16+$0x0] =	vst.add.f32.msk $0xffff, v2  }
0x223: {  	s5 =	sor.u32 s6, s5;
	v2 =	vld [tilespmem:s0+$0xE200]  }
0x224: {  	s6 =	sor.u32 $0x380, s5;
	[tilespmem:s8+$0x8000] =	vst.add.f32.msk $0xffff, v0  }
0x225: {  	v0 =	vld [tilespmem:s6+$0xC000]  }
0x226: {  	[tilespmem:s15+$0x8000] =	vst.add.f32.msk $0xffff, v1  }
0x227: {  	s17 =	sor.u32 $0xA200, s0;
	v1 =	vld [tilespmem:s21+$0xE010]  }
0x228: {  	[tilespmem:s17+$0x0] =	vst.add.f32.msk $0xffff, v2  }
0x229: {  	v2 =	vld [tilespmem:s0+$0xE280]  }
0x22a: {  	[tilespmem:s6+$0x8000] =	vst.add.f32.msk $0xffff, v0  }
0x22b: {  	s18 =	sor.u32 $0xA010, s21;
	v0 =	vld [tilespmem:s21+$0xE000]  }
0x22c: {  	[tilespmem:s18+$0x0] =	vst.add.f32.msk $0xffff, v1  }
0x22d: {  	s0 =	sor.u32 $0xA280, s0;
	v1 =	vld [tilespmem:s21+$0xE090]  }
0x22e: {  	s20 =	sor.u32 $0x2300, s2;
	[tilespmem:s0+$0x0] =	vst.add.f32.msk $0xffff, v2  }
0x22f: {  	s26 =	sor.u32 $0xA000, s21;
	v2 =	vld [tilespmem:s20+$0xC000]  }
0x230: {  	[tilespmem:s26+$0x0] =	vst.add.f32.msk $0xffff, v0  }
0x231: {  	s30 =	sor.u32 $0xA180, s21;
	s29 =	sor.u32 $0xA200, s21;
	s31 =	sor.u32 $0xA090, s21;
	v0 =	vld [tilespmem:s21+$0xE080]  }
0x232: {  	s28 =	sor.u32 $0xA280, s21;
	s2 =	sor.u32 $0xA080, s21;
	s25 =	sor.u32 $0x2380, s5;
	[tilespmem:s31+$0x0] =	vst.add.f32.msk $0xffff, v1  }
0x233: {  	s7 =	simm.s32 $0x200;
	s24 =	sor.u32 $0x2380, s4;
	s4 =	simm.s32 $0x2;
	v1 =	vld [tilespmem:s21+$0xE110]  }
0x234: {  	s0 =	sor.u32 $0xA100, s21;
	s18 =	simm.s32 $0x40;
	[tilespmem:s20+$0x8000] =	vst.add.f32.msk $0xffff, v2;
	s26 =	sor.u32 $0x2300, s1  }
.LBB2_7:
0x235: {  	s1 =	sand.u32 $0x60, s18;
	s3 =	sand.u32 $0x1C00, s7;
	s4 =	sadd.s32 $0x2, s4;
	v2 =	vld [tilespmem:s24+$0xC000]  }
0x236: {  	s5 =	sor.u32 s1, s3;
	s3 =	sor.u32 s18, s7;
	p1 =	slt.u32 s4, $0x3E;
	[tilespmem:s2+$0x0] =	vst.add.f32.msk $0xffff, v0  }
0x237: {  	s2 =	sor.u32 $0xA110, s21;
	s11 =	sor.u32 $0x8000, s5;
	s14 =	sor.u32 $0x8080, s5;
	v0 =	vld [tilespmem:s5+$0xC010]  }
0x238: {  	s20 =	sor.u32 $0x8100, s5;
	s1 =	sor.u32 $0x8180, s5;
	s15 =	sor.u32 $0x8200, s5;
	[tilespmem:s2+$0x0] =	vst.add.f32.msk $0xffff, v1  }
0x239: {  	s13 =	sor.u32 $0x8280, s5;
	s6 =	sor.u32 $0x380, s3;
	s8 =	sor.u32 $0xA000, s5;
	v1 =	vld [tilespmem:s21+$0xE190]  }
0x23a: {  	s17 =	sor.u32 $0xA100, s5;
	s9 =	sor.u32 $0xA180, s5;
	s2 =	sor.u32 $0xA080, s5;
	v3 =	vld [tilespmem:s5+$0xC000]  }
0x23b: {  	s12 =	sor.u32 $0xA200, s5;
	s10 =	sor.u32 $0xA280, s5;
	s31 =	sor.u32 $0x8010, s5;
	v4 =	vld [tilespmem:s21+$0xE100]  }
0x23c: {  	s16 =	sor.u32 $0x2380, s3;
	[tilespmem:s31+$0x0] =	vst.add.f32.msk $0xffff, v0  }
0x23d: {  	s3 =	sor.u32 $0xA190, s21;
	v0 =	vld [tilespmem:s5+$0xC090]  }
0x23e: {  	[tilespmem:s3+$0x0] =	vst.add.f32.msk $0xffff, v1  }
0x23f: {  	v1 =	vld [tilespmem:s21+$0xE210]  }
0x240: {  	[tilespmem:s11+$0x0] =	vst.add.f32.msk $0xffff, v3  }
0x241: {  	s3 =	sor.u32 $0x8090, s5;
	v3 =	vld [tilespmem:s5+$0xC080]  }
0x242: {  	[tilespmem:s3+$0x0] =	vst.add.f32.msk $0xffff, v0  }
0x243: {  	s3 =	sor.u32 $0xA210, s21;
	v0 =	vld [tilespmem:s5+$0xC110]  }
0x244: {  	[tilespmem:s3+$0x0] =	vst.add.f32.msk $0xffff, v1  }
0x245: {  	v1 =	vld [tilespmem:s21+$0xE290]  }
0x246: {  	[tilespmem:s14+$0x0] =	vst.add.f32.msk $0xffff, v3  }
0x247: {  	s3 =	sor.u32 $0x8110, s5;
	v3 =	vld [tilespmem:s5+$0xC100]  }
0x248: {  	[tilespmem:s3+$0x0] =	vst.add.f32.msk $0xffff, v0  }
0x249: {  	s3 =	sor.u32 $0xA290, s21;
	v0 =	vld [tilespmem:s5+$0xC190]  }
0x24a: {  	[tilespmem:s3+$0x0] =	vst.add.f32.msk $0xffff, v1;
	s3 =	sor.u32 $0x2300, s23  }
0x24b: {  	v1 =	vld [tilespmem:s3+$0xC000]  }
0x24c: {  	[tilespmem:s20+$0x0] =	vst.add.f32.msk $0xffff, v3  }
0x24d: {  	s11 =	sor.u32 $0x8190, s5;
	v3 =	vld [tilespmem:s5+$0xC180]  }
0x24e: {  	[tilespmem:s11+$0x0] =	vst.add.f32.msk $0xffff, v0  }
0x24f: {  	v0 =	vld [tilespmem:s5+$0xC210]  }
0x250: {  	[tilespmem:s3+$0x8000] =	vst.add.f32.msk $0xffff, v1;
	s3 =	sor.u32 $0x2380, s23  }
0x251: {  	v1 =	vld [tilespmem:s3+$0xC000]  }
0x252: {  	[tilespmem:s1+$0x0] =	vst.add.f32.msk $0xffff, v3  }
0x253: {  	s1 =	sor.u32 $0x8210, s5;
	v3 =	vld [tilespmem:s5+$0xC200]  }
0x254: {  	[tilespmem:s1+$0x0] =	vst.add.f32.msk $0xffff, v0  }
0x255: {  	s22 =	sadd.s32 $0x1, s22;
	v0 =	vld [tilespmem:s5+$0xC290]  }
0x256: {  	s1 =	sand.u32 $0x3, s22;
	[tilespmem:s3+$0x8000] =	vst.add.f32.msk $0xffff, v1  }
0x257: {  	s1 =	sshll.u32 s1, $0x5;
	[tilespmem:s0+$0x0] =	vst.add.f32.msk $0xffff, v4;
	s0 =	smov.u32 s17  }
0x258: {  	s1 =	sadd.s32 s1, s7;
	[tilespmem:s15+$0x0] =	vst.add.f32.msk $0xffff, v3  }
0x259: {  	s11 =	sor.u32 $0x8290, s5;
	s3 =	sor.u32 $0x300, s1;
	s23 =	sadd.s32 $0x10, s1;
	v1 =	vld [tilespmem:s5+$0xC280]  }
0x25a: {  	s1 =	sor.u32 $0x2300, s1;
	[tilespmem:s11+$0x0] =	vst.add.f32.msk $0xffff, v0;
	s11 =	sor.u32 $0x300, s23  }
0x25b: {  	v0 =	vld [tilespmem:s11+$0xC000]  }
0x25c: {  	v3 =	vld [tilespmem:s21+$0xE180]  }
0x25d: {  	[tilespmem:s24+$0x8000] =	vst.add.f32.msk $0xffff, v2;
	s24 =	smov.u32 s25;
	s25 =	smov.u32 s16  }
0x25e: {  	[tilespmem:s13+$0x0] =	vst.add.f32.msk $0xffff, v1  }
0x25f: {  	v1 =	vld [tilespmem:s3+$0xC000]  }
0x260: {  	[tilespmem:s11+$0x8000] =	vst.add.f32.msk $0xffff, v0;
	s11 =	sor.u32 $0x380, s23  }
0x261: {  	v0 =	vld [tilespmem:s11+$0xC000]  }
0x262: {  	[tilespmem:s30+$0x0] =	vst.add.f32.msk $0xffff, v3;
	s30 =	smov.u32 s9  }
0x263: {  	v2 =	vld [tilespmem:s21+$0xE200]  }
0x264: {  	[tilespmem:s3+$0x8000] =	vst.add.f32.msk $0xffff, v1  }
0x265: {  	v1 =	vld [tilespmem:s6+$0xC000]  }
0x266: {  	[tilespmem:s11+$0x8000] =	vst.add.f32.msk $0xffff, v0  }
0x267: {  	v0 =	vld [tilespmem:s5+$0xE010]  }
0x268: {  	[tilespmem:s29+$0x0] =	vst.add.f32.msk $0xffff, v2;
	s29 =	smov.u32 s12  }
0x269: {  	v2 =	vld [tilespmem:s21+$0xE280];
	s21 =	smov.u32 s5  }
0x26a: {  	[tilespmem:s6+$0x8000] =	vst.add.f32.msk $0xffff, v1  }
0x26b: {  	s3 =	sor.u32 $0xA010, s21;
	v1 =	vld [tilespmem:s21+$0xE000]  }
0x26c: {  	[tilespmem:s3+$0x0] =	vst.add.f32.msk $0xffff, v0  }
0x26d: {  	v3 =	vld [tilespmem:s21+$0xE090]  }
0x26e: {  	[tilespmem:s28+$0x0] =	vst.add.f32.msk $0xffff, v2;
	s28 =	smov.u32 s10  }
0x26f: {  	v2 =	vld [tilespmem:s26+$0xC000]  }
.Ltmp2:
0x270: {  	[tilespmem:s8+$0x0] =	vst.add.f32.msk $0xffff, v1;
	(pc) =	sbr.rel @p1 .LBB2_7-.Ltmp2, $4  }
0x271: {  	s3 =	sor.u32 $0xA090, s21;
	v0 =	vld [tilespmem:s21+$0xE080]  }
0x272: {  	[tilespmem:s3+$0x0] =	vst.add.f32.msk $0xffff, v3  }
0x273: {  	v1 =	vld [tilespmem:s21+$0xE110]  }
0x274: {  	s18 =	sadd.s32 $0x20, s18;
	s7 =	sadd.s32 $0x100, s7;
	[tilespmem:s26+$0x8000] =	vst.add.f32.msk $0xffff, v2;
	s26 =	smov.u32 s1  }
0x275: {  	_ = 	snop  }
0x276: {  	[tilespmem:s2+$0x0] =	vst.add.f32.msk $0xffff, v0  }
0x277: {  	v0 =	vld [tilespmem:s21+$0xE100];
	_ =	sdelay $0x1  }
0x278: {  	s1 =	sor.u32 $0xA110, s21  }
0x279: {  	[tilespmem:s1+$0x0] =	vst.add.f32.msk $0xffff, v1  }
0x27a: {  	v1 =	vld [tilespmem:s21+$0xE190]  }
0x27b: {  	[tilespmem:s0+$0x0] =	vst.add.f32.msk $0xffff, v0  }
0x27c: {  	v0 =	vld [tilespmem:s21+$0xE180];
	_ =	sdelay $0x1  }
0x27d: {  	s10 =	sor.u32 $0xA190, s21  }
0x27e: {  	[tilespmem:s10+$0x0] =	vst.add.f32.msk $0xffff, v1  }
0x27f: {  	v1 =	vld [tilespmem:s21+$0xE210]  }
0x280: {  	[tilespmem:s30+$0x0] =	vst.add.f32.msk $0xffff, v0  }
0x281: {  	v0 =	vld [tilespmem:s21+$0xE200];
	_ =	sdelay $0x1  }
0x282: {  	s11 =	sor.u32 $0xA210, s21  }
0x283: {  	[tilespmem:s11+$0x0] =	vst.add.f32.msk $0xffff, v1  }
0x284: {  	v1 =	vld [tilespmem:s21+$0xE290]  }
0x285: {  	[tilespmem:s29+$0x0] =	vst.add.f32.msk $0xffff, v0  }
0x286: {  	v0 =	vld [tilespmem:s21+$0xE280];
	_ =	sdelay $0x1  }
0x287: {  	s12 =	sor.u32 $0xA290, s21  }
0x288: {  	s13 =	sor.u32 $0x2300, s23;
	[tilespmem:s12+$0x0] =	vst.add.f32.msk $0xffff, v1  }
0x289: {  	v1 =	vld [tilespmem:s13+$0xC000]  }
0x28a: {  	[tilespmem:s28+$0x0] =	vst.add.f32.msk $0xffff, v0  }
0x28b: {  	v0 =	vld [tilespmem:s26+$0xC000];
	_ =	sdelay $0x1  }
0x28c: {  	v2 =	vld [tilespmem:s24+$0xC000]  }
0x28d: {  	s14 =	sor.u32 $0x2380, s23;
	[tilespmem:s13+$0x8000] =	vst.add.f32.msk $0xffff, v1  }
0x28e: {  	v1 =	vld [tilespmem:s14+$0xC000]  }
0x28f: {  	[tilespmem:s26+$0x8000] =	vst.add.f32.msk $0xffff, v0  }
0x290: {  	v0 =	vld [tilespmem:s25+$0xC000];
	_ =	sdelay $0x2  }
0x291: {  	[tilespmem:s24+$0x8000] =	vst.add.f32.msk $0xffff, v2  }
0x292: {  	[tilespmem:s14+$0x8000] =	vst.add.f32.msk $0xffff, v1  }
0x293: {  	s15 =	rddreg [dreg:$0x2];
	[tilespmem:s25+$0x8000] =	vst.add.f32.msk $0xffff, v0  }
0x294: {  	s16 =	simm.s32 $0x0;
	s1 =	rddreg [dreg:$0x7]  }
0x295: {  	s18 =	simm.s32 $0x8000;
	s17 =	simm.s32 $0x1;
	s0 =	sadd.s32 s15, s1  }
0x296: {  	[hbm4b:s0+s16] =	stream.linear.scatter [tilespmem:s18], [sflag:$0x6], $0x4000, $0x38;
	[tilespmem:$0x10000] =	vst v63  }
0x297: {  	_ =	swait.ge [sflag:s17], $0x4000  }
0x298: {  	s20 =	sand.u32 $0x60, s16;
	s21 =	sand.u32 $0x1C00, s16;
	[sflag:s17] =	ssyncset.done $0x0  }
0x299: {  	s0 =	sor.u32 s20, s21;
	[sflag:s17] =	ssyncadd.s32 $0xFFFFC000  }
0x29a: {  	v0 =	vld [tilespmem:s0+$0xC010];
	_ =	sdelay $0x3  }
0x29b: {  	s2 =	sor.u32 $0x10, s0  }
0x29c: {  	[tilespmem:s2+$0x0] =	vst.add.f32.msk $0xffff, v0  }
0x29d: {  	v0 =	vld [tilespmem:s0+$0xC090];
	_ =	sdelay $0x3  }
0x29e: {  	s22 =	sor.u32 $0x90, s0;
	v1 =	vld [tilespmem:s0+$0xC000]  }
0x29f: {  	[tilespmem:s22+$0x0] =	vst.add.f32.msk $0xffff, v0  }
0x2a0: {  	v0 =	vld [tilespmem:s0+$0xC110];
	_ =	sdelay $0x1  }
0x2a1: {  	v2 =	vld [tilespmem:s0+$0xC080];
	_ =	sdelay $0x1  }
0x2a2: {  	s23 =	sor.u32 $0x110, s0;
	[tilespmem:s0+$0x0] =	vst.add.f32.msk $0xffff, v1  }
0x2a3: {  	[tilespmem:s23+$0x0] =	vst.add.f32.msk $0xffff, v0  }
0x2a4: {  	s24 =	sor.u32 $0x80, s0;
	v0 =	vld [tilespmem:s0+$0xC190]  }
0x2a5: {  	[tilespmem:s24+$0x0] =	vst.add.f32.msk $0xffff, v2  }
0x2a6: {  	v1 =	vld [tilespmem:s0+$0xC100];
	_ =	sdelay $0x1  }
0x2a7: {  	s25 =	sor.u32 $0x190, s0  }
0x2a8: {  	[tilespmem:s25+$0x0] =	vst.add.f32.msk $0xffff, v0  }
0x2a9: {  	s26 =	sor.u32 $0x100, s0;
	v0 =	vld [tilespmem:s0+$0xC210]  }
0x2aa: {  	[tilespmem:s26+$0x0] =	vst.add.f32.msk $0xffff, v1  }
0x2ab: {  	v1 =	vld [tilespmem:s0+$0xC180];
	_ =	sdelay $0x1  }
0x2ac: {  	s31 =	sor.u32 $0x210, s0  }
0x2ad: {  	[tilespmem:s31+$0x0] =	vst.add.f32.msk $0xffff, v0  }
0x2ae: {  	s3 =	sor.u32 $0x180, s0;
	v0 =	vld [tilespmem:s0+$0xC290]  }
0x2af: {  	s4 =	sand.u32 $0x3, s16;
	[tilespmem:s3+$0x0] =	vst.add.f32.msk $0xffff, v1  }
0x2b0: {  	s2 =	sshll.u32 s4, $0x5;
	v1 =	vld [tilespmem:s0+$0xC200]  }
0x2b1: {  	s2 =	sadd.s32 $0x0, s2  }
0x2b2: {  	s7 =	sadd.s32 $0x10, s2;
	s3 =	sor.u32 $0x290, s0  }
0x2b3: {  	s5 =	sor.u32 $0x300, s7;
	[tilespmem:s3+$0x0] =	vst.add.f32.msk $0xffff, v0  }
0x2b4: {  	s4 =	sor.u32 $0x200, s0;
	v0 =	vld [tilespmem:s5+$0xC000]  }
0x2b5: {  	[tilespmem:s4+$0x0] =	vst.add.f32.msk $0xffff, v1  }
0x2b6: {  	v1 =	vld [tilespmem:s0+$0xC280];
	_ =	sdelay $0x2  }
0x2b7: {  	s6 =	sor.u32 $0x380, s7;
	[tilespmem:s5+$0x0] =	vst.add.f32.msk $0xffff, v0  }
0x2b8: {  	s8 =	sor.u32 $0x280, s0;
	v0 =	vld [tilespmem:s6+$0xC000]  }
0x2b9: {  	[tilespmem:s8+$0x0] =	vst.add.f32.msk $0xffff, v1;
	s5 =	sor.u32 $0x300, s2  }
0x2ba: {  	v1 =	vld [tilespmem:s5+$0xC000];
	_ =	sdelay $0x2  }
0x2bb: {  	[tilespmem:s6+$0x0] =	vst.add.f32.msk $0xffff, v0  }
0x2bc: {  	s4 =	sor.u32 s16, s16;
	v0 =	vld [tilespmem:s0+$0xE010]  }
0x2bd: {  	s1 =	sor.u32 $0x380, s4;
	[tilespmem:s5+$0x0] =	vst.add.f32.msk $0xffff, v1  }
0x2be: {  	v1 =	vld [tilespmem:s1+$0xC000];
	_ =	sdelay $0x1  }
0x2bf: {  	s9 =	sor.u32 $0x2010, s0  }
0x2c0: {  	[tilespmem:s9+$0x0] =	vst.add.f32.msk $0xffff, v0  }
0x2c1: {  	v0 =	vld [tilespmem:s0+$0xE090]  }
0x2c2: {  	s5 =	simm.s32 $0x100;
	s6 =	simm.s32 $0x20;
	[tilespmem:s1+$0x0] =	vst.add.f32.msk $0xffff, v1  }
0x2c3: {  	s12 =	sand.u32 $0x60, s6;
	s13 =	sand.u32 $0x1C00, s5;
	v1 =	vld [tilespmem:s0+$0xE000]  }
0x2c4: {  	s20 =	sor.u32 s12, s13  }
0x2c5: {  	s10 =	sor.u32 $0x2090, s0;
	v2 =	vld [tilespmem:s20+$0xC010]  }
0x2c6: {  	[tilespmem:s10+$0x0] =	vst.add.f32.msk $0xffff, v0  }
0x2c7: {  	s11 =	sor.u32 $0x2000, s0;
	v0 =	vld [tilespmem:s0+$0xE110]  }
0x2c8: {  	[tilespmem:s11+$0x0] =	vst.add.f32.msk $0xffff, v1  }
0x2c9: {  	s16 =	sor.u32 $0x10, s20;
	v1 =	vld [tilespmem:s0+$0xE080]  }
0x2ca: {  	[tilespmem:s16+$0x0] =	vst.add.f32.msk $0xffff, v2  }
0x2cb: {  	s14 =	sor.u32 $0x2110, s0;
	v2 =	vld [tilespmem:s20+$0xC090]  }
0x2cc: {  	[tilespmem:s14+$0x0] =	vst.add.f32.msk $0xffff, v0  }
0x2cd: {  	s15 =	sor.u32 $0x2080, s0;
	v0 =	vld [tilespmem:s0+$0xE190]  }
0x2ce: {  	[tilespmem:s15+$0x0] =	vst.add.f32.msk $0xffff, v1  }
0x2cf: {  	v1 =	vld [tilespmem:s20+$0xC000]  }
0x2d0: {  	v3 =	vld [tilespmem:s20+$0xC080];
	s21 =	sor.u32 $0x90, s20  }
0x2d1: {  	s18 =	sor.u32 $0x2190, s0;
	[tilespmem:s21+$0x0] =	vst.add.f32.msk $0xffff, v2  }
0x2d2: {  	[tilespmem:s18+$0x0] =	vst.add.f32.msk $0xffff, v0  }
0x2d3: {  	v0 =	vld [tilespmem:s0+$0xE210]  }
0x2d4: {  	[tilespmem:s20+$0x0] =	vst.add.f32.msk $0xffff, v1  }
0x2d5: {  	s23 =	sor.u32 $0x80, s20;
	v1 =	vld [tilespmem:s20+$0xC110]  }
0x2d6: {  	[tilespmem:s23+$0x0] =	vst.add.f32.msk $0xffff, v3  }
0x2d7: {  	s22 =	sor.u32 $0x2210, s0;
	v2 =	vld [tilespmem:s20+$0xC100]  }
0x2d8: {  	[tilespmem:s22+$0x0] =	vst.add.f32.msk $0xffff, v0  }
0x2d9: {  	s24 =	sor.u32 $0x110, s20;
	v0 =	vld [tilespmem:s0+$0xE290]  }
0x2da: {  	[tilespmem:s24+$0x0] =	vst.add.f32.msk $0xffff, v1  }
0x2db: {  	s3 =	sor.u32 $0x100, s20;
	v1 =	vld [tilespmem:s20+$0xC190]  }
0x2dc: {  	[tilespmem:s3+$0x0] =	vst.add.f32.msk $0xffff, v2  }
0x2dd: {  	s25 =	sor.u32 $0x2290, s0;
	v2 =	vld [tilespmem:s20+$0xC180]  }
0x2de: {  	s26 =	sor.u32 $0x2300, s7;
	[tilespmem:s25+$0x0] =	vst.add.f32.msk $0xffff, v0  }
0x2df: {  	s31 =	sor.u32 $0x190, s20;
	v0 =	vld [tilespmem:s26+$0xC000]  }
0x2e0: {  	[tilespmem:s31+$0x0] =	vst.add.f32.msk $0xffff, v1  }
0x2e1: {  	s8 =	sor.u32 $0x180, s20;
	v1 =	vld [tilespmem:s20+$0xC210]  }
0x2e2: {  	[tilespmem:s8+$0x0] =	vst.add.f32.msk $0xffff, v2  }
0x2e3: {  	v2 =	vld [tilespmem:s20+$0xC200]  }
0x2e4: {  	s7 =	sor.u32 $0x2380, s7;
	[tilespmem:s26+$0x0] =	vst.add.f32.msk $0xffff, v0  }
0x2e5: {  	s9 =	sor.u32 $0x210, s20;
	v0 =	vld [tilespmem:s7+$0xC000]  }
0x2e6: {  	[tilespmem:s9+$0x0] =	vst.add.f32.msk $0xffff, v1  }
0x2e7: {  	s21 =	simm.s32 $0x1;
	v1 =	vld [tilespmem:s20+$0xC290]  }
0x2e8: {  	s11 =	sor.u32 $0x200, s20;
	s10 =	sand.u32 $0x3, s21;
	v3 =	vld [tilespmem:s0+$0xE100]  }
0x2e9: {  	s12 =	sshll.u32 s10, $0x5;
	[tilespmem:s11+$0x0] =	vst.add.f32.msk $0xffff, v2  }
0x2ea: {  	s1 =	sadd.s32 $0x100, s12;
	[tilespmem:s7+$0x0] =	vst.add.f32.msk $0xffff, v0  }
0x2eb: {  	s13 =	sor.u32 $0x290, s20;
	s22 =	sadd.s32 $0x10, s1;
	v0 =	vld [tilespmem:s20+$0xC280]  }
0x2ec: {  	s14 =	sor.u32 $0x300, s22;
	[tilespmem:s13+$0x0] =	vst.add.f32.msk $0xffff, v1  }
0x2ed: {  	s15 =	sor.u32 $0x2100, s0;
	v1 =	vld [tilespmem:s14+$0xC000]  }
0x2ee: {  	[tilespmem:s15+$0x0] =	vst.add.f32.msk $0xffff, v3  }
0x2ef: {  	s16 =	sor.u32 $0x280, s20;
	v2 =	vld [tilespmem:s0+$0xE180]  }
0x2f0: {  	s8 =	sor.u32 $0x300, s1;
	[tilespmem:s16+$0x0] =	vst.add.f32.msk $0xffff, v0  }
0x2f1: {  	v0 =	vld [tilespmem:s8+$0xC000]  }
0x2f2: {  	s18 =	sor.u32 $0x380, s22;
	[tilespmem:s14+$0x0] =	vst.add.f32.msk $0xffff, v1  }
0x2f3: {  	s23 =	sor.u32 $0x2180, s0;
	v1 =	vld [tilespmem:s18+$0xC000]  }
0x2f4: {  	[tilespmem:s23+$0x0] =	vst.add.f32.msk $0xffff, v2  }
0x2f5: {  	s5 =	sor.u32 s6, s5;
	v2 =	vld [tilespmem:s0+$0xE200]  }
0x2f6: {  	s6 =	sor.u32 $0x380, s5;
	[tilespmem:s8+$0x0] =	vst.add.f32.msk $0xffff, v0  }
0x2f7: {  	v0 =	vld [tilespmem:s6+$0xC000]  }
0x2f8: {  	[tilespmem:s18+$0x0] =	vst.add.f32.msk $0xffff, v1  }
0x2f9: {  	s24 =	sor.u32 $0x2200, s0;
	v1 =	vld [tilespmem:s20+$0xE010]  }
0x2fa: {  	[tilespmem:s24+$0x0] =	vst.add.f32.msk $0xffff, v2  }
0x2fb: {  	v2 =	vld [tilespmem:s0+$0xE280]  }
0x2fc: {  	[tilespmem:s6+$0x0] =	vst.add.f32.msk $0xffff, v0  }
0x2fd: {  	s25 =	sor.u32 $0x2010, s20;
	v0 =	vld [tilespmem:s20+$0xE000]  }
0x2fe: {  	[tilespmem:s25+$0x0] =	vst.add.f32.msk $0xffff, v1  }
0x2ff: {  	s0 =	sor.u32 $0x2280, s0;
	v1 =	vld [tilespmem:s20+$0xE090]  }
0x300: {  	s2 =	sor.u32 $0x2300, s2;
	[tilespmem:s0+$0x0] =	vst.add.f32.msk $0xffff, v2  }
0x301: {  	s26 =	sor.u32 $0x2000, s20;
	v2 =	vld [tilespmem:s2+$0xC000]  }
0x302: {  	[tilespmem:s26+$0x0] =	vst.add.f32.msk $0xffff, v0  }
0x303: {  	s30 =	sor.u32 $0x2080, s20;
	s29 =	sor.u32 $0x2180, s20;
	s31 =	sor.u32 $0x2090, s20;
	v0 =	vld [tilespmem:s20+$0xE080]  }
0x304: {  	s28 =	sor.u32 $0x2200, s20;
	s23 =	sor.u32 $0x2380, s4;
	s4 =	simm.s32 $0x2;
	[tilespmem:s31+$0x0] =	vst.add.f32.msk $0xffff, v1  }
0x305: {  	s7 =	simm.s32 $0x200;
	s24 =	sor.u32 $0x2380, s5;
	s18 =	simm.s32 $0x40;
	v1 =	vld [tilespmem:s20+$0xE110]  }
0x306: {  	s0 =	sor.u32 $0x2100, s20;
	s25 =	sor.u32 $0x2300, s1;
	[tilespmem:s2+$0x0] =	vst.add.f32.msk $0xffff, v2;
	s26 =	sor.u32 $0x2280, s20  }
.LBB2_9:
0x307: {  	s1 =	sand.u32 $0x60, s18;
	s2 =	sand.u32 $0x1C00, s7;
	s4 =	sadd.s32 $0x2, s4;
	v2 =	vld [tilespmem:s23+$0xC000]  }
0x308: {  	s3 =	sor.u32 s18, s7;
	s2 =	sor.u32 s1, s2;
	p1 =	slt.u32 s4, $0x3E;
	[tilespmem:s30+$0x0] =	vst.add.f32.msk $0xffff, v0  }
0x309: {  	s5 =	sor.u32 $0x2110, s20;
	s11 =	sor.u32 $0x80, s2;
	s14 =	sor.u32 $0x100, s2;
	v0 =	vld [tilespmem:s2+$0xC010]  }
0x30a: {  	s1 =	sor.u32 $0x180, s2;
	s15 =	sor.u32 $0x200, s2;
	s9 =	sor.u32 $0x280, s2;
	[tilespmem:s5+$0x0] =	vst.add.f32.msk $0xffff, v1  }
0x30b: {  	s6 =	sor.u32 $0x380, s3;
	s30 =	sor.u32 $0x2080, s2;
	s5 =	sor.u32 $0x2000, s2;
	v1 =	vld [tilespmem:s20+$0xE190]  }
0x30c: {  	s16 =	sor.u32 $0x2100, s2;
	s12 =	sor.u32 $0x2180, s2;
	s10 =	sor.u32 $0x2200, s2;
	v3 =	vld [tilespmem:s2+$0xC000]  }
0x30d: {  	s13 =	sor.u32 $0x2380, s3;
	s8 =	sor.u32 $0x2280, s2;
	s3 =	sor.u32 $0x10, s2;
	v4 =	vld [tilespmem:s2+$0xC080]  }
0x30e: {  	[tilespmem:s3+$0x0] =	vst.add.f32.msk $0xffff, v0  }
0x30f: {  	s3 =	sor.u32 $0x2190, s20;
	v0 =	vld [tilespmem:s2+$0xC090]  }
0x310: {  	[tilespmem:s3+$0x0] =	vst.add.f32.msk $0xffff, v1  }
0x311: {  	v1 =	vld [tilespmem:s20+$0xE210]  }
0x312: {  	[tilespmem:s2+$0x0] =	vst.add.f32.msk $0xffff, v3  }
0x313: {  	s3 =	sor.u32 $0x90, s2;
	[tilespmem:s11+$0x0] =	vst.add.f32.msk $0xffff, v4  }
0x314: {  	[tilespmem:s3+$0x0] =	vst.add.f32.msk $0xffff, v0  }
0x315: {  	s3 =	sor.u32 $0x2210, s20;
	v0 =	vld [tilespmem:s2+$0xC110]  }
0x316: {  	[tilespmem:s3+$0x0] =	vst.add.f32.msk $0xffff, v1  }
0x317: {  	v1 =	vld [tilespmem:s20+$0xE290]  }
0x318: {  	v3 =	vld [tilespmem:s2+$0xC100]  }
0x319: {  	s3 =	sor.u32 $0x110, s2;
	v4 =	vld [tilespmem:s20+$0xE100]  }
0x31a: {  	[tilespmem:s3+$0x0] =	vst.add.f32.msk $0xffff, v0  }
0x31b: {  	s3 =	sor.u32 $0x2290, s20;
	v0 =	vld [tilespmem:s2+$0xC190]  }
0x31c: {  	[tilespmem:s3+$0x0] =	vst.add.f32.msk $0xffff, v1;
	s3 =	sor.u32 $0x2300, s22  }
0x31d: {  	v1 =	vld [tilespmem:s3+$0xC000]  }
0x31e: {  	[tilespmem:s14+$0x0] =	vst.add.f32.msk $0xffff, v3  }
0x31f: {  	s11 =	sor.u32 $0x190, s2;
	v3 =	vld [tilespmem:s2+$0xC180]  }
0x320: {  	[tilespmem:s11+$0x0] =	vst.add.f32.msk $0xffff, v0  }
0x321: {  	v0 =	vld [tilespmem:s2+$0xC210]  }
0x322: {  	[tilespmem:s3+$0x0] =	vst.add.f32.msk $0xffff, v1;
	s3 =	sor.u32 $0x2380, s22  }
0x323: {  	v1 =	vld [tilespmem:s3+$0xC000]  }
0x324: {  	[tilespmem:s1+$0x0] =	vst.add.f32.msk $0xffff, v3  }
0x325: {  	s1 =	sor.u32 $0x210, s2;
	v3 =	vld [tilespmem:s2+$0xC200]  }
0x326: {  	[tilespmem:s1+$0x0] =	vst.add.f32.msk $0xffff, v0  }
0x327: {  	s21 =	sadd.s32 $0x1, s21;
	v0 =	vld [tilespmem:s2+$0xC290]  }
0x328: {  	s1 =	sand.u32 $0x3, s21;
	[tilespmem:s3+$0x0] =	vst.add.f32.msk $0xffff, v1  }
0x329: {  	s1 =	sshll.u32 s1, $0x5;
	[tilespmem:s0+$0x0] =	vst.add.f32.msk $0xffff, v4;
	s0 =	smov.u32 s16  }
0x32a: {  	s1 =	sadd.s32 s1, s7;
	[tilespmem:s15+$0x0] =	vst.add.f32.msk $0xffff, v3  }
0x32b: {  	s11 =	sor.u32 $0x290, s2;
	s3 =	sor.u32 $0x300, s1;
	s22 =	sadd.s32 $0x10, s1;
	v1 =	vld [tilespmem:s2+$0xC280]  }
0x32c: {  	s1 =	sor.u32 $0x2300, s1;
	[tilespmem:s11+$0x0] =	vst.add.f32.msk $0xffff, v0;
	s11 =	sor.u32 $0x300, s22  }
0x32d: {  	v0 =	vld [tilespmem:s11+$0xC000]  }
0x32e: {  	v3 =	vld [tilespmem:s20+$0xE180]  }
0x32f: {  	[tilespmem:s23+$0x0] =	vst.add.f32.msk $0xffff, v2;
	s23 =	smov.u32 s24;
	s24 =	smov.u32 s13  }
0x330: {  	[tilespmem:s9+$0x0] =	vst.add.f32.msk $0xffff, v1  }
0x331: {  	v1 =	vld [tilespmem:s3+$0xC000]  }
0x332: {  	s9 =	sor.u32 $0x380, s22;
	[tilespmem:s11+$0x0] =	vst.add.f32.msk $0xffff, v0  }
0x333: {  	v0 =	vld [tilespmem:s9+$0xC000]  }
0x334: {  	[tilespmem:s29+$0x0] =	vst.add.f32.msk $0xffff, v3;
	s29 =	smov.u32 s12  }
0x335: {  	v2 =	vld [tilespmem:s20+$0xE200]  }
0x336: {  	[tilespmem:s3+$0x0] =	vst.add.f32.msk $0xffff, v1  }
0x337: {  	v1 =	vld [tilespmem:s6+$0xC000]  }
0x338: {  	[tilespmem:s9+$0x0] =	vst.add.f32.msk $0xffff, v0  }
0x339: {  	v0 =	vld [tilespmem:s2+$0xE010]  }
0x33a: {  	[tilespmem:s28+$0x0] =	vst.add.f32.msk $0xffff, v2;
	s28 =	smov.u32 s10  }
0x33b: {  	v2 =	vld [tilespmem:s20+$0xE280];
	s20 =	smov.u32 s2  }
0x33c: {  	[tilespmem:s6+$0x0] =	vst.add.f32.msk $0xffff, v1  }
0x33d: {  	s2 =	sor.u32 $0x2010, s20;
	v1 =	vld [tilespmem:s20+$0xE000]  }
0x33e: {  	[tilespmem:s2+$0x0] =	vst.add.f32.msk $0xffff, v0  }
0x33f: {  	v3 =	vld [tilespmem:s20+$0xE090]  }
0x340: {  	[tilespmem:s26+$0x0] =	vst.add.f32.msk $0xffff, v2;
	s26 =	smov.u32 s8  }
0x341: {  	v2 =	vld [tilespmem:s25+$0xC000]  }
.Ltmp3:
0x342: {  	[tilespmem:s5+$0x0] =	vst.add.f32.msk $0xffff, v1;
	(pc) =	sbr.rel @p1 .LBB2_9-.Ltmp3, $4  }
0x343: {  	s2 =	sor.u32 $0x2090, s20;
	v0 =	vld [tilespmem:s20+$0xE080]  }
0x344: {  	[tilespmem:s2+$0x0] =	vst.add.f32.msk $0xffff, v3  }
0x345: {  	v1 =	vld [tilespmem:s20+$0xE110]  }
0x346: {  	s18 =	sadd.s32 $0x20, s18;
	s7 =	sadd.s32 $0x100, s7;
	[tilespmem:s25+$0x0] =	vst.add.f32.msk $0xffff, v2;
	s25 =	smov.u32 s1  }
0x347: {  	_ = 	snop  }
0x348: {  	[tilespmem:s30+$0x0] =	vst.add.f32.msk $0xffff, v0  }
0x349: {  	v0 =	vld [tilespmem:s20+$0xE100];
	_ =	sdelay $0x1  }
0x34a: {  	s1 =	sor.u32 $0x2110, s20  }
0x34b: {  	[tilespmem:s1+$0x0] =	vst.add.f32.msk $0xffff, v1  }
0x34c: {  	v1 =	vld [tilespmem:s20+$0xE190]  }
0x34d: {  	[tilespmem:s0+$0x0] =	vst.add.f32.msk $0xffff, v0  }
0x34e: {  	v0 =	vld [tilespmem:s20+$0xE180];
	_ =	sdelay $0x1  }
0x34f: {  	s16 =	sor.u32 $0x2190, s20  }
0x350: {  	[tilespmem:s16+$0x0] =	vst.add.f32.msk $0xffff, v1  }
0x351: {  	v1 =	vld [tilespmem:s20+$0xE210]  }
0x352: {  	[tilespmem:s29+$0x0] =	vst.add.f32.msk $0xffff, v0  }
0x353: {  	v0 =	vld [tilespmem:s20+$0xE200];
	_ =	sdelay $0x1  }
0x354: {  	s18 =	sor.u32 $0x2210, s20  }
0x355: {  	[tilespmem:s18+$0x0] =	vst.add.f32.msk $0xffff, v1  }
0x356: {  	v1 =	vld [tilespmem:s20+$0xE290]  }
0x357: {  	[tilespmem:s28+$0x0] =	vst.add.f32.msk $0xffff, v0  }
0x358: {  	v0 =	vld [tilespmem:s20+$0xE280];
	_ =	sdelay $0x1  }
0x359: {  	s20 =	sor.u32 $0x2290, s20  }
0x35a: {  	s21 =	sor.u32 $0x2300, s22;
	[tilespmem:s20+$0x0] =	vst.add.f32.msk $0xffff, v1  }
0x35b: {  	v1 =	vld [tilespmem:s21+$0xC000]  }
0x35c: {  	[tilespmem:s26+$0x0] =	vst.add.f32.msk $0xffff, v0  }
0x35d: {  	v0 =	vld [tilespmem:s25+$0xC000];
	_ =	sdelay $0x1  }
0x35e: {  	v2 =	vld [tilespmem:s23+$0xC000]  }
0x35f: {  	s22 =	sor.u32 $0x2380, s22;
	[tilespmem:s21+$0x0] =	vst.add.f32.msk $0xffff, v1  }
0x360: {  	v1 =	vld [tilespmem:s22+$0xC000]  }
0x361: {  	[tilespmem:s25+$0x0] =	vst.add.f32.msk $0xffff, v0  }
0x362: {  	v0 =	vld [tilespmem:s24+$0xC000];
	_ =	sdelay $0x2  }
0x363: {  	[tilespmem:s23+$0x0] =	vst.add.f32.msk $0xffff, v2  }
0x364: {  	s26 =	rddreg [dreg:$0x2];
	[tilespmem:s22+$0x0] =	vst.add.f32.msk $0xffff, v1  }
0x365: {  	s29 =	simm.s32 $0x5;
	s28 =	simm.s32 $0x0;
	s0 =	sadd.s32 s26, s19;
	[tilespmem:s24+$0x0] =	vst.add.f32.msk $0xffff, v0  }
0x366: {  	[hbm4b:s0+s28] =	stream.linear.scatter [tilespmem:s28], [sflag:$0x4], $0x4000, $0x38;
	[tilespmem:$0x10000] =	vst v63  }
0x367: {  	_ =	swait.ge [sflag:s29], $0x4000  }
0x368: {  	[sflag:s29] =	ssyncset.done $0x0  }
0x369: {  	s30 =	simm.s32 $0x6;
	[sflag:s29] =	ssyncadd.s32 $0xFFFFC000  }
0x36a: {  	_ =	swait.ge [sflag:s30], $0x4000  }
.Ltmp4:
0x36b: {  	[sflag:s30] =	ssyncset.done $0x0;
	(pc) =	sbr.rel @p0 .LBB2_2-.Ltmp4, $4  }
0x36c: {  	s31 =	simm.s32 $0x4;
	[sflag:s30] =	ssyncadd.s32 $0xFFFFC000  }
0x36d: {  	_ =	swait.ge [sflag:s31], $0x4000  }
0x36e: {  	[sflag:s31] =	ssyncset.done $0x0  }
0x36f: {  	p1 =	por $0x0, $0x0;
	s0 =	simm.s32 $0x800;
	[sflag:s31] =	ssyncadd.s32 $0xFFFFC000  }
0x370: {  	s1 =	rddreg [dreg:$0x6]  }
0x371: {  	s0 =	rddreg [dreg:$0x5];
	s1 =	sadd.s32 $0x1, s1  }
0x372: {  	p0 =	sne.s32 s1, s0  }
.Ltmp5:
0x373: {  	_ = 	snop;
	(pc) =	sbr.rel @p0 .LBB2_1-.Ltmp5, $1  }
0x374: {  	_ =	sdelay $0x3  }
0x375: {  	_ =	sfence.sel $0x180000  }
0x376: {  	[bflag:$0x0] =	sbarrier.arrive $0xFFFF  }
0x377: {  	_ =	strace $0x90000047  }
0x378: {  	s0 =	stileid.u32;
	[bflag:$0x2] =	sbarrier.arrive $0xFFFF  }
0x379: {  	p0 =	sne.s32 s0, $0x0;
	s0 =	rddreg [dreg:$0x3]  }
0x37a: {  	s0 =	sadd.s32 @!p0 $0x100000, s0  }
0x37b: {  	[sflag:s0] =	ssyncadd.tile.s32 @!p0 $0x1;
	_ =	shalt  }
.Lfunc_end2:
_tile_overlayer_lowered:
.L_overlay_start_2:
0x37c: {  	(tag) =	ssettag $0x2  }
0x37d: {  	s0 =	rddreg [dreg:$0x0];
	s2 =	stileid.u32  }
0x37e: {  	s1 =	rddreg [dreg:$0x1];
	p0 =	sne.s32 s2, $0x0  }
0x37f: {  	s3 =	rddreg [dreg:$0x2];
	[bflag:$0x3] =	sbarrier.arrive $0xFFFF;
	s2 =	simm.s32 @!p0 $0x1C08  }
0x380: {  	[timem:s3], [sflag:s2] =	dma.local @!p0 [hbm:s0], s1  }
0x381: {  	s0 =	simm.s32 @!p0 $0x8  }
0x382: {  	_ =	swait.ge @!p0 [sflag:s0], s1  }
0x383: {  	s1 =	ssub.s32 @!p0 $0x0, s1;
	[sflag:s0] =	ssyncset.done @!p0 $0x0  }
0x384: {  	[sflag:s0] =	ssyncadd.s32 @!p0 s1  }
0x385: {  	[bflag:$0x3] =	sbarrier.arrive $0xFFFF  }
0x386: {  	_ =	shalt  }

</sc_bundles>
